<compile_context>
chip_gen: v7x
topology: tpu7x:2x2x1
jax: 0.10.2.dev20260603
libtpu: 0.0.44.dev20260713+nightly
codegen_flags: <defaults>
</compile_context>

<pallas_src>
import functools
import math

import jax
import jax.numpy as jnp
from jax import lax
from jax.experimental import pallas as pl
from jax.experimental.pallas import tpu as pltpu
from jax.experimental.pallas import tpu_sc as plsc

D = 128
NC, NS = 2, 16
CHUNK = 64
NBUF = 4
IDXBLK = 16
NPART = 1


def _node_tables_kernel(x_ref, w2_ref, w3_ref, t2_ref, t3_ref):
    xb = x_ref[...]
    t2_ref[...] = jnp.dot(xb, w2_ref[...], preferred_element_type=jnp.float32)
    t3_ref[...] = jnp.dot(xb, w3_ref[...], preferred_element_type=jnp.float32)


def _edge_out_kernel(ea_ref, g2_ref, g3_ref, w1_ref, b_ref, o_ref):
    o_ref[...] = (
        jnp.dot(ea_ref[...], w1_ref[...], preferred_element_type=jnp.float32)
        + g2_ref[...] + g3_ref[...] + b_ref[...]
    )


def _edge_out_kernel_acc(prev_ref, ea_ref, g2_ref, g3_ref, w1_ref, b_ref, o_ref):
    del prev_ref
    _edge_out_kernel(ea_ref, g2_ref, g3_ref, w1_ref, b_ref, o_ref)


def _sc_gather(t2, t3, idx2d):
    n_chunks, chunk = idx2d.shape
    assert chunk == CHUNK
    n_idx = n_chunks * chunk
    chunks_per_sub = n_chunks // (NC * NS)
    assert chunks_per_sub % IDXBLK == 0 and IDXBLK % NBUF == 0

    n_nodes = t2.shape[0]
    rows_per_sub = (n_nodes // NS) & ~7
    tail_rows = n_nodes - NS * rows_per_sub
    mesh = plsc.VectorSubcoreMesh(core_axis_name="c", subcore_axis_name="s")

    @functools.partial(
        pl.kernel,
        out_type=jax.ShapeDtypeStruct((n_idx, D), jnp.float32),
        mesh=mesh,
        scratch_types=[
            pltpu.VMEM((2 * IDXBLK, CHUNK), jnp.int32),
            pltpu.VMEM((CHUNK, D), jnp.float32),
            pltpu.VMEM((CHUNK, D), jnp.float32),
            pltpu.VMEM((CHUNK, D), jnp.float32),
            pltpu.VMEM((CHUNK, D), jnp.float32),
            pltpu.VMEM_SHARED((n_nodes, D), jnp.float32),
            pltpu.SemaphoreType.DMA,
            pltpu.SemaphoreType.DMA,
            pltpu.SemaphoreType.DMA,
            pltpu.SemaphoreType.DMA,
            pltpu.SemaphoreType.DMA,
            pltpu.SemaphoreType.DMA,
            pltpu.SemaphoreType.DMA,
            pltpu.SemaphoreType.DMA,
            pltpu.SemaphoreType.DMA,
        ],
    )
    def gather_k(t2_hbm, t3_hbm, idx_hbm, g_hbm,
                 idx_v, a0, a1, a2, a3, t_sh,
                 sg0, sg1, sg2, sg3, sw0, sw1, sw2, sw3, si):
        cid = lax.axis_index("c")
        sid = lax.axis_index("s")

        roff = sid * rows_per_sub

        @pl.when(cid == 0)
        def _stage_t2():
            pltpu.sync_copy(t2_hbm.at[pl.ds(roff, rows_per_sub)],
                            t_sh.at[pl.ds(roff, rows_per_sub)])

        @pl.when(cid != 0)
        def _stage_t3():
            pltpu.sync_copy(t3_hbm.at[pl.ds(roff, rows_per_sub)],
                            t_sh.at[pl.ds(roff, rows_per_sub)])

        if tail_rows:
            toff = NS * rows_per_sub

            @pl.when((sid == 0) & (cid == 0))
            def _tail_t2():
                pltpu.sync_copy(t2_hbm.at[pl.ds(toff, tail_rows)],
                                t_sh.at[pl.ds(toff, tail_rows)])

            @pl.when((sid == 0) & (cid != 0))
            def _tail_t3():
                pltpu.sync_copy(t3_hbm.at[pl.ds(toff, tail_rows)],
                                t_sh.at[pl.ds(toff, tail_rows)])

        chunk0 = (cid * NS + sid) * chunks_per_sub
        n_blks = chunks_per_sub // IDXBLK
        pltpu.async_copy(idx_hbm.at[pl.ds(chunk0, IDXBLK)],
                         idx_v.at[pl.ds(0, IDXBLK)], si)
        plsc.subcore_barrier()

        slots = ((a0, sg0, sw0), (a1, sg1, sw1), (a2, sg2, sw2), (a3, sg3, sw3))
        steps_per_blk = IDXBLK // NBUF

        def blk_body(blk, carry):
            islot = (blk % 2) * IDXBLK
            pltpu.make_async_copy(idx_hbm.at[pl.ds(0, IDXBLK)],
                                  idx_v.at[pl.ds(0, IDXBLK)], si).wait()

            @pl.when(blk + 1 < n_blks)
            def _prefetch_next():
                nslot = ((blk + 1) % 2) * IDXBLK
                pltpu.async_copy(
                    idx_hbm.at[pl.ds(chunk0 + (blk + 1) * IDXBLK, IDXBLK)],
                    idx_v.at[pl.ds(nslot, IDXBLK)], si)

            def step(p, c2):
                for b, (buf, sg, sw) in enumerate(slots):
                    j = p * NBUF + b

                    @pl.when((blk > 0) | (p > 0))
                    def _wait_prev_write(buf=buf, sw=sw):
                        pltpu.make_async_copy(
                            g_hbm.at[pl.ds(0, CHUNK)], buf, sw).wait()

                    pltpu.async_copy(t_sh.at[idx_v.at[islot + j]], buf, sg)
                for b, (buf, sg, sw) in enumerate(slots):
                    j = p * NBUF + b
                    pltpu.make_async_copy(
                        g_hbm.at[pl.ds(0, CHUNK)], buf, sg).wait()
                    off = (chunk0 + blk * IDXBLK + j) * CHUNK
                    pltpu.async_copy(buf, g_hbm.at[pl.ds(off, CHUNK)], sw)
                return c2

            lax.fori_loop(0, steps_per_blk, step, 0)
            return carry

        lax.fori_loop(0, n_blks, blk_body, 0)
        for buf, _sg, sw in slots:
            pltpu.make_async_copy(g_hbm.at[pl.ds(0, CHUNK)], buf, sw).wait()

    return gather_k(t2, t3, idx2d)


def kernel(x, edge_attr, edge_index, W, b):
    n_nodes, d = x.shape
    n_edges = edge_attr.shape[0]
    senders = edge_index[0].astype(jnp.int32)
    receivers = edge_index[1].astype(jnp.int32)
    W1, W2, W3 = W[:d], W[d:2 * d], W[2 * d:]

    nb = 5
    node_rows = n_nodes // nb
    t2, t3 = pl.pallas_call(
        _node_tables_kernel,
        grid=(nb,),
        in_specs=[
            pl.BlockSpec((node_rows, d), lambda i: (i, 0)),
            pl.BlockSpec((d, d), lambda i: (0, 0)),
            pl.BlockSpec((d, d), lambda i: (0, 0)),
        ],
        out_specs=[
            pl.BlockSpec((node_rows, d), lambda i: (i, 0)),
            pl.BlockSpec((node_rows, d), lambda i: (i, 0)),
        ],
        out_shape=[jax.ShapeDtypeStruct((n_nodes, d), jnp.float32)] * 2,
    )(x, W2, W3)

    eb = 2560 // NPART
    ne_q = n_edges // NPART
    assert ne_q % eb == 0
    lcm = math.lcm(NS * CHUNK * IDXBLK, eb)
    half = -(-ne_q // lcm) * lcm
    pad = half - ne_q
    zpad = jnp.zeros((pad,), jnp.int32)
    nblk_q = ne_q // eb
    hblk = half // eb

    gs = []
    for q in range(NPART):
        s_q = lax.dynamic_slice_in_dim(senders, q * ne_q, ne_q)
        r_q = lax.dynamic_slice_in_dim(receivers, q * ne_q, ne_q)
        idx2d = jnp.concatenate([s_q, zpad, r_q, zpad]).reshape(-1, CHUNK)
        gs.append(_sc_gather(t2, t3, idx2d))

    out = None
    for q in range(NPART):
        g = gs[q]
        qb = q * nblk_q
        in_specs = [
            pl.BlockSpec((eb, d), lambda i, qb=qb: (i + qb, 0)),
            pl.BlockSpec((eb, d), lambda i: (i, 0)),
            pl.BlockSpec((eb, d), lambda i: (i + hblk, 0)),
            pl.BlockSpec((d, d), lambda i: (0, 0)),
            pl.BlockSpec((1, d), lambda i: (0, 0)),
        ]
        out_spec = pl.BlockSpec((eb, d), lambda i, qb=qb: (i + qb, 0))
        out_shape = jax.ShapeDtypeStruct((n_edges, d), jnp.float32)
        args = (edge_attr, g, g, W1, b.reshape(1, d))
        if q == 0:
            out = pl.pallas_call(
                _edge_out_kernel,
                grid=(nblk_q,),
                in_specs=in_specs,
                out_specs=out_spec,
                out_shape=out_shape,
            )(*args)
        else:
            out = pl.pallas_call(
                _edge_out_kernel_acc,
                grid=(nblk_q,),
                in_specs=[pl.BlockSpec(memory_space=pltpu.MemorySpace.HBM)]
                + in_specs,
                out_specs=out_spec,
                out_shape=out_shape,
                input_output_aliases={0: 0},
            )(out, *args)
    return out

# --- scband reference (transcript-rebuilt; emitter-appended) ---
"""Pipeline reference for scband-edge-block-21509196219221 (READ-ONLY COPY).

The authoritative reference and input builder live on the scoring server;
editing this copy changes nothing except your own understanding.
"""

import jax, jax.numpy as jnp
import numpy as np

N_NODES = 10000
N_EDGES = 320000
D_FEAT = 128
D_IN = 3 * D_FEAT  # edge feat + sender feat + receiver feat
D_OUT = 128


def setup_inputs(seed: int = 0) -> dict:
    key = jax.random.key(seed)
    k1, k2, k3, k4, k5 = jax.random.split(key, 5)
    x = jax.random.normal(k1, (N_NODES, D_FEAT), dtype=jnp.float32)
    edge_attr = jax.random.normal(k2, (N_EDGES, D_FEAT), dtype=jnp.float32)
    edge_index = jax.random.randint(k3, (2, N_EDGES), 0, N_NODES, dtype=jnp.int64)
    # learned parameters of the edge model (nn.Linear(3*d_feat, d_out))
    W = jax.random.normal(k4, (D_IN, D_OUT), dtype=jnp.float32) * (1.0 / np.sqrt(D_IN))
    b = jax.random.normal(k5, (D_OUT,), dtype=jnp.float32) * 0.01
    return {"x": x, "edge_attr": edge_attr, "edge_index": edge_index, "W": W, "b": b}


def reference(x, edge_attr, edge_index, W, b):
    # EdgeBlock.forward:
    #   edges_from = ndata[feat][senders]   (target=0)
    #   edges_to   = ndata[feat][receivers] (target=1)
    #   collected  = cat([edata[feat], edges_from, edges_to], dim=-1)
    #   edata[feat] = edge_model(collected)
    senders = edge_index[0]
    receivers = edge_index[1]
    edges_from = jnp.take(x, senders, axis=0)
    edges_to = jnp.take(x, receivers, axis=0)
    collected = jnp.concatenate([edge_attr, edges_from, edges_to], axis=-1)
    new_edata = collected @ W + b
    return new_edata

if __name__ == "__main__":
    import jax
    _d = setup_inputs()
    print(jax.jit(kernel)(*tuple(_d.values())))

</pallas_src>

<mosaic_0001>
#map = affine_map<(d0, d1) -> (0, 0)>
module attributes {stable_mosaic.version = 14 : i64} {
  func.func @gather_k(%arg0: i32, %arg1: i32, %arg2: memref<10000x128xf32, #tpu.memory_space<hbm>>, %arg3: memref<10000x128xf32, #tpu.memory_space<hbm>>, %arg4: memref<10240x64xi32, #tpu.memory_space<hbm>>, %arg5: memref<655360x128xf32, #tpu.memory_space<hbm>>, %arg6: memref<32x64xi32, #tpu.memory_space<vmem>>, %arg7: memref<64x128xf32, #tpu.memory_space<vmem>>, %arg8: memref<64x128xf32, #tpu.memory_space<vmem>>, %arg9: memref<64x128xf32, #tpu.memory_space<vmem>>, %arg10: memref<64x128xf32, #tpu.memory_space<vmem>>, %arg11: memref<10000x128xf32, #tpu.memory_space<vmem_shared>>, %arg12: memref<!tpu.dma_semaphore, #tpu.memory_space<semaphore_mem>>, %arg13: memref<!tpu.dma_semaphore, #tpu.memory_space<semaphore_mem>>, %arg14: memref<!tpu.dma_semaphore, #tpu.memory_space<semaphore_mem>>, %arg15: memref<!tpu.dma_semaphore, #tpu.memory_space<semaphore_mem>>, %arg16: memref<!tpu.dma_semaphore, #tpu.memory_space<semaphore_mem>>, %arg17: memref<!tpu.dma_semaphore, #tpu.memory_space<semaphore_mem>>, %arg18: memref<!tpu.dma_semaphore, #tpu.memory_space<semaphore_mem>>, %arg19: memref<!tpu.dma_semaphore, #tpu.memory_space<semaphore_mem>>, %arg20: memref<!tpu.dma_semaphore, #tpu.memory_space<semaphore_mem>>) attributes {dimension_semantics = [#tpu.dimension_semantics<core_parallel>, #tpu.dimension_semantics<subcore_parallel>], iteration_bounds = array<i64: 2, 16>, scalar_prefetch = 0 : i64, scratch_operands = 15 : i64, tpu.core_type = #tpu.core_type<sc_vector_subcore>, window_params = [{transform_indices = #map}, {transform_indices = #map}, {transform_indices = #map}, {transform_indices = #map}]} {
    %mul3A = arith.constant 624 : i32
    %mul3A_0 = arith.muli %arg1, %mul3A : i32
    %eq3A = arith.constant 0 : i32
    %eq3A_1 = arith.cmpi eq, %arg0, %eq3A : i32
    %convert_element_type3A = arith.extui %eq3A_1 : i1 to i32
    %cond3A = arith.constant 0 : i32
    %cond3A_2 = arith.cmpi ne, %convert_element_type3A, %cond3A : i32
    scf.if %cond3A_2 {
      "tpu.region"() ({
        %run_scoped3A = tpu.sem_alloc : memref<!tpu.dma_semaphore, #tpu.memory_space<semaphore_mem>>
        %dma_start3A_63 = arith.constant 0 : i32
        %dma_start3A_64 = tpu.memref_slice %arg11[%mul3A_0, %dma_start3A_63] : memref<10000x128xf32, #tpu.memory_space<vmem_shared>> -> memref<624x128xf32, #tpu.memory_space<vmem_shared>>
        %dma_start3A_65 = arith.constant 0 : i32
        %dma_start3A_66 = tpu.memref_slice %arg2[%mul3A_0, %dma_start3A_65] : memref<10000x128xf32, #tpu.memory_space<hbm>> -> memref<624x128xf32, #tpu.memory_space<hbm>>
        tpu.enqueue_dma source(%dma_start3A_66 : memref<624x128xf32, #tpu.memory_space<hbm>>) target(%dma_start3A_64 : memref<624x128xf32, #tpu.memory_space<vmem_shared>>) target_semaphore(%run_scoped3A : memref<!tpu.dma_semaphore, #tpu.memory_space<semaphore_mem>>)
        %dma_wait3A_67 = arith.constant 0 : i32
        %dma_wait3A_68 = tpu.memref_slice %arg11[%mul3A_0, %dma_wait3A_67] : memref<10000x128xf32, #tpu.memory_space<vmem_shared>> -> memref<624x128xf32, #tpu.memory_space<vmem_shared>>
        %dma_wait3A_69 = arith.constant 0 : i32
        %dma_wait3A_70 = tpu.memref_slice %arg2[%mul3A_0, %dma_wait3A_69] : memref<10000x128xf32, #tpu.memory_space<hbm>> -> memref<624x128xf32, #tpu.memory_space<hbm>>
        tpu.wait_dma2 semaphore(%run_scoped3A : memref<!tpu.dma_semaphore, #tpu.memory_space<semaphore_mem>>) src(%dma_wait3A_70 : memref<624x128xf32, #tpu.memory_space<hbm>>) dst(%dma_wait3A_68 : memref<624x128xf32, #tpu.memory_space<vmem_shared>>)
        tpu.yield
      }) : () -> ()
    } else {
    }
    %ne3A = arith.constant 0 : i32
    %ne3A_3 = arith.cmpi ne, %arg0, %ne3A : i32
    %convert_element_type3A_4 = arith.extui %ne3A_3 : i1 to i32
    %cond3A_5 = arith.constant 0 : i32
    %cond3A_6 = arith.cmpi ne, %convert_element_type3A_4, %cond3A_5 : i32
    scf.if %cond3A_6 {
      "tpu.region"() ({
        %run_scoped3A = tpu.sem_alloc : memref<!tpu.dma_semaphore, #tpu.memory_space<semaphore_mem>>
        %dma_start3A_63 = arith.constant 0 : i32
        %dma_start3A_64 = tpu.memref_slice %arg11[%mul3A_0, %dma_start3A_63] : memref<10000x128xf32, #tpu.memory_space<vmem_shared>> -> memref<624x128xf32, #tpu.memory_space<vmem_shared>>
        %dma_start3A_65 = arith.constant 0 : i32
        %dma_start3A_66 = tpu.memref_slice %arg3[%mul3A_0, %dma_start3A_65] : memref<10000x128xf32, #tpu.memory_space<hbm>> -> memref<624x128xf32, #tpu.memory_space<hbm>>
        tpu.enqueue_dma source(%dma_start3A_66 : memref<624x128xf32, #tpu.memory_space<hbm>>) target(%dma_start3A_64 : memref<624x128xf32, #tpu.memory_space<vmem_shared>>) target_semaphore(%run_scoped3A : memref<!tpu.dma_semaphore, #tpu.memory_space<semaphore_mem>>)
        %dma_wait3A_67 = arith.constant 0 : i32
        %dma_wait3A_68 = tpu.memref_slice %arg11[%mul3A_0, %dma_wait3A_67] : memref<10000x128xf32, #tpu.memory_space<vmem_shared>> -> memref<624x128xf32, #tpu.memory_space<vmem_shared>>
        %dma_wait3A_69 = arith.constant 0 : i32
        %dma_wait3A_70 = tpu.memref_slice %arg3[%mul3A_0, %dma_wait3A_69] : memref<10000x128xf32, #tpu.memory_space<hbm>> -> memref<624x128xf32, #tpu.memory_space<hbm>>
        tpu.wait_dma2 semaphore(%run_scoped3A : memref<!tpu.dma_semaphore, #tpu.memory_space<semaphore_mem>>) src(%dma_wait3A_70 : memref<624x128xf32, #tpu.memory_space<hbm>>) dst(%dma_wait3A_68 : memref<624x128xf32, #tpu.memory_space<vmem_shared>>)
        tpu.yield
      }) : () -> ()
    } else {
    }
    %eq3A_7 = arith.constant 0 : i32
    %eq3A_8 = arith.cmpi eq, %arg1, %eq3A_7 : i32
    %eq3A_9 = arith.constant 0 : i32
    %eq3A_10 = arith.cmpi eq, %arg0, %eq3A_9 : i32
    %and3A = arith.andi %eq3A_8, %eq3A_10 : i1
    %convert_element_type3A_11 = arith.extui %and3A : i1 to i32
    %cond3A_12 = arith.constant 0 : i32
    %cond3A_13 = arith.cmpi ne, %convert_element_type3A_11, %cond3A_12 : i32
    scf.if %cond3A_13 {
      "tpu.region"() ({
        %run_scoped3A = tpu.sem_alloc : memref<!tpu.dma_semaphore, #tpu.memory_space<semaphore_mem>>
        %dma_start3A_63 = arith.constant 9984 : i32
        %dma_start3A_64 = arith.constant 0 : i32
        %dma_start3A_65 = tpu.memref_slice %arg11[%dma_start3A_63, %dma_start3A_64] : memref<10000x128xf32, #tpu.memory_space<vmem_shared>> -> memref<16x128xf32, #tpu.memory_space<vmem_shared>>
        %dma_start3A_66 = arith.constant 9984 : i32
        %dma_start3A_67 = arith.constant 0 : i32
        %dma_start3A_68 = tpu.memref_slice %arg2[%dma_start3A_66, %dma_start3A_67] : memref<10000x128xf32, #tpu.memory_space<hbm>> -> memref<16x128xf32, #tpu.memory_space<hbm>>
        tpu.enqueue_dma source(%dma_start3A_68 : memref<16x128xf32, #tpu.memory_space<hbm>>) target(%dma_start3A_65 : memref<16x128xf32, #tpu.memory_space<vmem_shared>>) target_semaphore(%run_scoped3A : memref<!tpu.dma_semaphore, #tpu.memory_space<semaphore_mem>>)
        %dma_wait3A_69 = arith.constant 9984 : i32
        %dma_wait3A_70 = arith.constant 0 : i32
        %dma_wait3A_71 = tpu.memref_slice %arg11[%dma_wait3A_69, %dma_wait3A_70] : memref<10000x128xf32, #tpu.memory_space<vmem_shared>> -> memref<16x128xf32, #tpu.memory_space<vmem_shared>>
        %dma_wait3A_72 = arith.constant 9984 : i32
        %dma_wait3A_73 = arith.constant 0 : i32
        %dma_wait3A_74 = tpu.memref_slice %arg2[%dma_wait3A_72, %dma_wait3A_73] : memref<10000x128xf32, #tpu.memory_space<hbm>> -> memref<16x128xf32, #tpu.memory_space<hbm>>
        tpu.wait_dma2 semaphore(%run_scoped3A : memref<!tpu.dma_semaphore, #tpu.memory_space<semaphore_mem>>) src(%dma_wait3A_74 : memref<16x128xf32, #tpu.memory_space<hbm>>) dst(%dma_wait3A_71 : memref<16x128xf32, #tpu.memory_space<vmem_shared>>)
        tpu.yield
      }) : () -> ()
    } else {
    }
    %eq3A_14 = arith.constant 0 : i32
    %eq3A_15 = arith.cmpi eq, %arg1, %eq3A_14 : i32
    %ne3A_16 = arith.constant 0 : i32
    %ne3A_17 = arith.cmpi ne, %arg0, %ne3A_16 : i32
    %and3A_18 = arith.andi %eq3A_15, %ne3A_17 : i1
    %convert_element_type3A_19 = arith.extui %and3A_18 : i1 to i32
    %cond3A_20 = arith.constant 0 : i32
    %cond3A_21 = arith.cmpi ne, %convert_element_type3A_19, %cond3A_20 : i32
    scf.if %cond3A_21 {
      "tpu.region"() ({
        %run_scoped3A = tpu.sem_alloc : memref<!tpu.dma_semaphore, #tpu.memory_space<semaphore_mem>>
        %dma_start3A_63 = arith.constant 9984 : i32
        %dma_start3A_64 = arith.constant 0 : i32
        %dma_start3A_65 = tpu.memref_slice %arg11[%dma_start3A_63, %dma_start3A_64] : memref<10000x128xf32, #tpu.memory_space<vmem_shared>> -> memref<16x128xf32, #tpu.memory_space<vmem_shared>>
        %dma_start3A_66 = arith.constant 9984 : i32
        %dma_start3A_67 = arith.constant 0 : i32
        %dma_start3A_68 = tpu.memref_slice %arg3[%dma_start3A_66, %dma_start3A_67] : memref<10000x128xf32, #tpu.memory_space<hbm>> -> memref<16x128xf32, #tpu.memory_space<hbm>>
        tpu.enqueue_dma source(%dma_start3A_68 : memref<16x128xf32, #tpu.memory_space<hbm>>) target(%dma_start3A_65 : memref<16x128xf32, #tpu.memory_space<vmem_shared>>) target_semaphore(%run_scoped3A : memref<!tpu.dma_semaphore, #tpu.memory_space<semaphore_mem>>)
        %dma_wait3A_69 = arith.constant 9984 : i32
        %dma_wait3A_70 = arith.constant 0 : i32
        %dma_wait3A_71 = tpu.memref_slice %arg11[%dma_wait3A_69, %dma_wait3A_70] : memref<10000x128xf32, #tpu.memory_space<vmem_shared>> -> memref<16x128xf32, #tpu.memory_space<vmem_shared>>
        %dma_wait3A_72 = arith.constant 9984 : i32
        %dma_wait3A_73 = arith.constant 0 : i32
        %dma_wait3A_74 = tpu.memref_slice %arg3[%dma_wait3A_72, %dma_wait3A_73] : memref<10000x128xf32, #tpu.memory_space<hbm>> -> memref<16x128xf32, #tpu.memory_space<hbm>>
        tpu.wait_dma2 semaphore(%run_scoped3A : memref<!tpu.dma_semaphore, #tpu.memory_space<semaphore_mem>>) src(%dma_wait3A_74 : memref<16x128xf32, #tpu.memory_space<hbm>>) dst(%dma_wait3A_71 : memref<16x128xf32, #tpu.memory_space<vmem_shared>>)
        tpu.yield
      }) : () -> ()
    } else {
    }
    %mul3A_22 = arith.constant 16 : i32
    %mul3A_23 = arith.muli %arg0, %mul3A_22 : i32
    %add3A = arith.addi %mul3A_23, %arg1 : i32
    %mul3A_24 = arith.constant 320 : i32
    %mul3A_25 = arith.muli %add3A, %mul3A_24 : i32
    %dma_start3A = arith.constant 0 : i32
    %dma_start3A_26 = arith.constant 0 : i32
    %dma_start3A_27 = tpu.memref_slice %arg6[%dma_start3A, %dma_start3A_26] : memref<32x64xi32, #tpu.memory_space<vmem>> -> memref<16x64xi32, #tpu.memory_space<vmem>>
    %dma_start3A_28 = arith.constant 0 : i32
    %dma_start3A_29 = tpu.memref_slice %arg4[%mul3A_25, %dma_start3A_28] : memref<10240x64xi32, #tpu.memory_space<hbm>> -> memref<16x64xi32, #tpu.memory_space<hbm>>
    %dma_start3A_30 = arith.constant 0 : i32
    %dma_start3A_31 = arith.constant 0 : i32
    %dma_start3A_32 = tpu.memref_slice %arg6[%dma_start3A_30, %dma_start3A_31] : memref<32x64xi32, #tpu.memory_space<vmem>> -> memref<16x64xi32, #tpu.memory_space<vmem>>
    %dma_start3A_33 = arith.constant 0 : i32
    %dma_start3A_34 = tpu.memref_slice %arg4[%mul3A_25, %dma_start3A_33] : memref<10240x64xi32, #tpu.memory_space<hbm>> -> memref<16x64xi32, #tpu.memory_space<hbm>>
    tpu.enqueue_dma source(%dma_start3A_34 : memref<16x64xi32, #tpu.memory_space<hbm>>) target(%dma_start3A_32 : memref<16x64xi32, #tpu.memory_space<vmem>>) target_semaphore(%arg20 : memref<!tpu.dma_semaphore, #tpu.memory_space<semaphore_mem>>)
    %barrier3A = arith.constant 0 : index
    tpu.barrier barrier_id(%barrier3A)
    %scan3A = arith.constant 0 : i32
    %scan3A_35 = arith.constant 0 : i32
    %scan3A_36 = arith.constant 20 : i32
    %scan3A_37 = arith.addi %scan3A_35, %scan3A_36 : i32
    %scan3A_38 = arith.constant 1 : i32
    scf.for %scan3A_63 = %scan3A_35 to %scan3A_37 step %scan3A_38  : i32 {
      %jit3A = arith.constant 2 : i32
      %eq3A_64 = arith.constant 0 : i32
      %eq3A_65 = arith.cmpi eq, %jit3A, %eq3A_64 : i32
      %jit3A_66 = arith.constant 1 : i32
      %select_n3A = arith.select %eq3A_65, %jit3A_66, %jit3A : i32
      %rem3A = arith.remsi %scan3A_63, %select_n3A : i32
      %ne3A_67 = arith.constant 0 : i32
      %ne3A_68 = arith.cmpi ne, %rem3A, %ne3A_67 : i32
      %lt3A = arith.constant 0 : i32
      %lt3A_69 = arith.cmpi slt, %rem3A, %lt3A : i32
      %lt3A_70 = arith.constant 0 : i32
      %lt3A_71 = arith.cmpi slt, %select_n3A, %lt3A_70 : i32
      %ne3A_72 = arith.xori %lt3A_69, %lt3A_71 : i1
      %and3A_73 = arith.andi %ne3A_72, %ne3A_68 : i1
      %add3A_74 = arith.addi %rem3A, %select_n3A : i32
      %select_n3A_75 = arith.select %and3A_73, %add3A_74, %rem3A : i32
      %mul3A_76 = arith.constant 16 : i32
      %mul3A_77 = arith.muli %select_n3A_75, %mul3A_76 : i32
      %dma_wait3A_78 = arith.constant 0 : i32
      %dma_wait3A_79 = arith.constant 0 : i32
      %dma_wait3A_80 = tpu.memref_slice %arg6[%dma_wait3A_78, %dma_wait3A_79] : memref<32x64xi32, #tpu.memory_space<vmem>> -> memref<16x64xi32, #tpu.memory_space<vmem>>
      %dma_wait3A_81 = arith.constant 0 : i32
      %dma_wait3A_82 = arith.constant 0 : i32
      %dma_wait3A_83 = tpu.memref_slice %arg4[%dma_wait3A_81, %dma_wait3A_82] : memref<10240x64xi32, #tpu.memory_space<hbm>> -> memref<16x64xi32, #tpu.memory_space<hbm>>
      %dma_wait3A_84 = arith.constant 0 : i32
      %dma_wait3A_85 = arith.constant 0 : i32
      %dma_wait3A_86 = tpu.memref_slice %arg6[%dma_wait3A_84, %dma_wait3A_85] : memref<32x64xi32, #tpu.memory_space<vmem>> -> memref<16x64xi32, #tpu.memory_space<vmem>>
      %dma_wait3A_87 = arith.constant 0 : i32
      %dma_wait3A_88 = arith.constant 0 : i32
      %dma_wait3A_89 = tpu.memref_slice %arg4[%dma_wait3A_87, %dma_wait3A_88] : memref<10240x64xi32, #tpu.memory_space<hbm>> -> memref<16x64xi32, #tpu.memory_space<hbm>>
      tpu.wait_dma2 semaphore(%arg20 : memref<!tpu.dma_semaphore, #tpu.memory_space<semaphore_mem>>) src(%dma_wait3A_89 : memref<16x64xi32, #tpu.memory_space<hbm>>) dst(%dma_wait3A_86 : memref<16x64xi32, #tpu.memory_space<vmem>>)
      %add3A_90 = arith.constant 1 : i32
      %add3A_91 = arith.addi %scan3A_63, %add3A_90 : i32
      %lt3A_92 = arith.constant 20 : i32
      %lt3A_93 = arith.cmpi slt, %add3A_91, %lt3A_92 : i32
      %convert_element_type3A_94 = arith.extui %lt3A_93 : i1 to i32
      %cond3A_95 = arith.constant 0 : i32
      %cond3A_96 = arith.cmpi ne, %convert_element_type3A_94, %cond3A_95 : i32
      scf.if %cond3A_96 {
        %add3A_103 = arith.constant 1 : i32
        %add3A_104 = arith.addi %scan3A_63, %add3A_103 : i32
        %jit3A_105 = arith.constant 2 : i32
        %eq3A_106 = arith.constant 0 : i32
        %eq3A_107 = arith.cmpi eq, %jit3A_105, %eq3A_106 : i32
        %jit3A_108 = arith.constant 1 : i32
        %select_n3A_109 = arith.select %eq3A_107, %jit3A_108, %jit3A_105 : i32
        %rem3A_110 = arith.remsi %add3A_104, %select_n3A_109 : i32
        %ne3A_111 = arith.constant 0 : i32
        %ne3A_112 = arith.cmpi ne, %rem3A_110, %ne3A_111 : i32
        %lt3A_113 = arith.constant 0 : i32
        %lt3A_114 = arith.cmpi slt, %rem3A_110, %lt3A_113 : i32
        %lt3A_115 = arith.constant 0 : i32
        %lt3A_116 = arith.cmpi slt, %select_n3A_109, %lt3A_115 : i32
        %ne3A_117 = arith.xori %lt3A_114, %lt3A_116 : i1
        %and3A_118 = arith.andi %ne3A_117, %ne3A_112 : i1
        %add3A_119 = arith.addi %rem3A_110, %select_n3A_109 : i32
        %select_n3A_120 = arith.select %and3A_118, %add3A_119, %rem3A_110 : i32
        %mul3A_121 = arith.constant 16 : i32
        %mul3A_122 = arith.muli %select_n3A_120, %mul3A_121 : i32
        %add3A_123 = arith.constant 1 : i32
        %add3A_124 = arith.addi %scan3A_63, %add3A_123 : i32
        %mul3A_125 = arith.constant 16 : i32
        %mul3A_126 = arith.muli %add3A_124, %mul3A_125 : i32
        %add3A_127 = arith.addi %mul3A_25, %mul3A_126 : i32
        %dma_start3A_128 = arith.constant 0 : i32
        %dma_start3A_129 = tpu.memref_slice %arg6[%mul3A_122, %dma_start3A_128] : memref<32x64xi32, #tpu.memory_space<vmem>> -> memref<16x64xi32, #tpu.memory_space<vmem>>
        %dma_start3A_130 = arith.constant 0 : i32
        %dma_start3A_131 = tpu.memref_slice %arg4[%add3A_127, %dma_start3A_130] : memref<10240x64xi32, #tpu.memory_space<hbm>> -> memref<16x64xi32, #tpu.memory_space<hbm>>
        %dma_start3A_132 = arith.constant 0 : i32
        %dma_start3A_133 = tpu.memref_slice %arg6[%mul3A_122, %dma_start3A_132] : memref<32x64xi32, #tpu.memory_space<vmem>> -> memref<16x64xi32, #tpu.memory_space<vmem>>
        %dma_start3A_134 = arith.constant 0 : i32
        %dma_start3A_135 = tpu.memref_slice %arg4[%add3A_127, %dma_start3A_134] : memref<10240x64xi32, #tpu.memory_space<hbm>> -> memref<16x64xi32, #tpu.memory_space<hbm>>
        tpu.enqueue_dma source(%dma_start3A_135 : memref<16x64xi32, #tpu.memory_space<hbm>>) target(%dma_start3A_133 : memref<16x64xi32, #tpu.memory_space<vmem>>) target_semaphore(%arg20 : memref<!tpu.dma_semaphore, #tpu.memory_space<semaphore_mem>>)
      } else {
      }
      %scan3A_97 = arith.constant 0 : i32
      %scan3A_98 = arith.constant 0 : i32
      %scan3A_99 = arith.constant 4 : i32
      %scan3A_100 = arith.addi %scan3A_98, %scan3A_99 : i32
      %scan3A_101 = arith.constant 1 : i32
      scf.for %scan3A_103 = %scan3A_98 to %scan3A_100 step %scan3A_101  : i32 {
        %mul3A_104 = arith.constant 4 : i32
        %mul3A_105 = arith.muli %scan3A_103, %mul3A_104 : i32
        %add3A_106 = arith.constant 0 : i32
        %add3A_107 = arith.addi %mul3A_105, %add3A_106 : i32
        %gt3A = arith.constant 0 : i32
        %gt3A_108 = arith.cmpi sgt, %scan3A_63, %gt3A : i32
        %gt3A_109 = arith.constant 0 : i32
        %gt3A_110 = arith.cmpi sgt, %scan3A_103, %gt3A_109 : i32
        %or3A = arith.ori %gt3A_108, %gt3A_110 : i1
        %convert_element_type3A_111 = arith.extui %or3A : i1 to i32
        %cond3A_112 = arith.constant 0 : i32
        %cond3A_113 = arith.cmpi ne, %convert_element_type3A_111, %cond3A_112 : i32
        scf.if %cond3A_113 {
          %dma_wait3A_258 = arith.constant 0 : i32
          %dma_wait3A_259 = arith.constant 0 : i32
          %dma_wait3A_260 = tpu.memref_slice %arg5[%dma_wait3A_258, %dma_wait3A_259] : memref<655360x128xf32, #tpu.memory_space<hbm>> -> memref<64x128xf32, #tpu.memory_space<hbm>>
          %dma_wait3A_261 = arith.constant 0 : i32
          %dma_wait3A_262 = arith.constant 0 : i32
          %dma_wait3A_263 = tpu.memref_slice %arg5[%dma_wait3A_261, %dma_wait3A_262] : memref<655360x128xf32, #tpu.memory_space<hbm>> -> memref<64x128xf32, #tpu.memory_space<hbm>>
          tpu.wait_dma2 semaphore(%arg16 : memref<!tpu.dma_semaphore, #tpu.memory_space<semaphore_mem>>) src(%dma_wait3A_263 : memref<64x128xf32, #tpu.memory_space<hbm>>) dst(%arg7 : memref<64x128xf32, #tpu.memory_space<vmem>>)
        } else {
        }
        %add3A_114 = arith.addi %mul3A_77, %add3A_107 : i32
        %dma_start3A_115 = arith.constant 0 : i32
        %dma_start3A_116 = tpu.memref_slice %arg6[%add3A_114, %dma_start3A_115] : memref<32x64xi32, #tpu.memory_space<vmem>> -> memref<1x64xi32, #tpu.memory_space<vmem>>
        %dma_start3A_117 = tpu.memref_squeeze %dma_start3A_116 : memref<1x64xi32, #tpu.memory_space<vmem>> -> memref<64xi32, #tpu.memory_space<vmem>>
        %dma_start3A_118 = arith.constant 0 : i32
        %dma_start3A_119 = arith.constant 0 : i32
        %dma_start3A_120 = tpu.memref_slice %arg11[%dma_start3A_118, %dma_start3A_119] : memref<10000x128xf32, #tpu.memory_space<vmem_shared>> -> memref<10000x128xf32, #tpu.memory_space<vmem_shared>>
        tpu.enqueue_indirect_dma source(%dma_start3A_120 : memref<10000x128xf32, #tpu.memory_space<vmem_shared>>) target(%arg7 : memref<64x128xf32, #tpu.memory_space<vmem>>) offsets(%dma_start3A_117 : memref<64xi32, #tpu.memory_space<vmem>>) semaphore(%arg12 : memref<!tpu.dma_semaphore, #tpu.memory_space<semaphore_mem>>)
        %mul3A_121 = arith.constant 4 : i32
        %mul3A_122 = arith.muli %scan3A_103, %mul3A_121 : i32
        %add3A_123 = arith.constant 1 : i32
        %add3A_124 = arith.addi %mul3A_122, %add3A_123 : i32
        %gt3A_125 = arith.constant 0 : i32
        %gt3A_126 = arith.cmpi sgt, %scan3A_63, %gt3A_125 : i32
        %gt3A_127 = arith.constant 0 : i32
        %gt3A_128 = arith.cmpi sgt, %scan3A_103, %gt3A_127 : i32
        %or3A_129 = arith.ori %gt3A_126, %gt3A_128 : i1
        %convert_element_type3A_130 = arith.extui %or3A_129 : i1 to i32
        %cond3A_131 = arith.constant 0 : i32
        %cond3A_132 = arith.cmpi ne, %convert_element_type3A_130, %cond3A_131 : i32
        scf.if %cond3A_132 {
          %dma_wait3A_258 = arith.constant 0 : i32
          %dma_wait3A_259 = arith.constant 0 : i32
          %dma_wait3A_260 = tpu.memref_slice %arg5[%dma_wait3A_258, %dma_wait3A_259] : memref<655360x128xf32, #tpu.memory_space<hbm>> -> memref<64x128xf32, #tpu.memory_space<hbm>>
          %dma_wait3A_261 = arith.constant 0 : i32
          %dma_wait3A_262 = arith.constant 0 : i32
          %dma_wait3A_263 = tpu.memref_slice %arg5[%dma_wait3A_261, %dma_wait3A_262] : memref<655360x128xf32, #tpu.memory_space<hbm>> -> memref<64x128xf32, #tpu.memory_space<hbm>>
          tpu.wait_dma2 semaphore(%arg17 : memref<!tpu.dma_semaphore, #tpu.memory_space<semaphore_mem>>) src(%dma_wait3A_263 : memref<64x128xf32, #tpu.memory_space<hbm>>) dst(%arg8 : memref<64x128xf32, #tpu.memory_space<vmem>>)
        } else {
        }
        %add3A_133 = arith.addi %mul3A_77, %add3A_124 : i32
        %dma_start3A_134 = arith.constant 0 : i32
        %dma_start3A_135 = tpu.memref_slice %arg6[%add3A_133, %dma_start3A_134] : memref<32x64xi32, #tpu.memory_space<vmem>> -> memref<1x64xi32, #tpu.memory_space<vmem>>
        %dma_start3A_136 = tpu.memref_squeeze %dma_start3A_135 : memref<1x64xi32, #tpu.memory_space<vmem>> -> memref<64xi32, #tpu.memory_space<vmem>>
        %dma_start3A_137 = arith.constant 0 : i32
        %dma_start3A_138 = arith.constant 0 : i32
        %dma_start3A_139 = tpu.memref_slice %arg11[%dma_start3A_137, %dma_start3A_138] : memref<10000x128xf32, #tpu.memory_space<vmem_shared>> -> memref<10000x128xf32, #tpu.memory_space<vmem_shared>>
        tpu.enqueue_indirect_dma source(%dma_start3A_139 : memref<10000x128xf32, #tpu.memory_space<vmem_shared>>) target(%arg8 : memref<64x128xf32, #tpu.memory_space<vmem>>) offsets(%dma_start3A_136 : memref<64xi32, #tpu.memory_space<vmem>>) semaphore(%arg13 : memref<!tpu.dma_semaphore, #tpu.memory_space<semaphore_mem>>)
        %mul3A_140 = arith.constant 4 : i32
        %mul3A_141 = arith.muli %scan3A_103, %mul3A_140 : i32
        %add3A_142 = arith.constant 2 : i32
        %add3A_143 = arith.addi %mul3A_141, %add3A_142 : i32
        %gt3A_144 = arith.constant 0 : i32
        %gt3A_145 = arith.cmpi sgt, %scan3A_63, %gt3A_144 : i32
        %gt3A_146 = arith.constant 0 : i32
        %gt3A_147 = arith.cmpi sgt, %scan3A_103, %gt3A_146 : i32
        %or3A_148 = arith.ori %gt3A_145, %gt3A_147 : i1
        %convert_element_type3A_149 = arith.extui %or3A_148 : i1 to i32
        %cond3A_150 = arith.constant 0 : i32
        %cond3A_151 = arith.cmpi ne, %convert_element_type3A_149, %cond3A_150 : i32
        scf.if %cond3A_151 {
          %dma_wait3A_258 = arith.constant 0 : i32
          %dma_wait3A_259 = arith.constant 0 : i32
          %dma_wait3A_260 = tpu.memref_slice %arg5[%dma_wait3A_258, %dma_wait3A_259] : memref<655360x128xf32, #tpu.memory_space<hbm>> -> memref<64x128xf32, #tpu.memory_space<hbm>>
          %dma_wait3A_261 = arith.constant 0 : i32
          %dma_wait3A_262 = arith.constant 0 : i32
          %dma_wait3A_263 = tpu.memref_slice %arg5[%dma_wait3A_261, %dma_wait3A_262] : memref<655360x128xf32, #tpu.memory_space<hbm>> -> memref<64x128xf32, #tpu.memory_space<hbm>>
          tpu.wait_dma2 semaphore(%arg18 : memref<!tpu.dma_semaphore, #tpu.memory_space<semaphore_mem>>) src(%dma_wait3A_263 : memref<64x128xf32, #tpu.memory_space<hbm>>) dst(%arg9 : memref<64x128xf32, #tpu.memory_space<vmem>>)
        } else {
        }
        %add3A_152 = arith.addi %mul3A_77, %add3A_143 : i32
        %dma_start3A_153 = arith.constant 0 : i32
        %dma_start3A_154 = tpu.memref_slice %arg6[%add3A_152, %dma_start3A_153] : memref<32x64xi32, #tpu.memory_space<vmem>> -> memref<1x64xi32, #tpu.memory_space<vmem>>
        %dma_start3A_155 = tpu.memref_squeeze %dma_start3A_154 : memref<1x64xi32, #tpu.memory_space<vmem>> -> memref<64xi32, #tpu.memory_space<vmem>>
        %dma_start3A_156 = arith.constant 0 : i32
        %dma_start3A_157 = arith.constant 0 : i32
        %dma_start3A_158 = tpu.memref_slice %arg11[%dma_start3A_156, %dma_start3A_157] : memref<10000x128xf32, #tpu.memory_space<vmem_shared>> -> memref<10000x128xf32, #tpu.memory_space<vmem_shared>>
        tpu.enqueue_indirect_dma source(%dma_start3A_158 : memref<10000x128xf32, #tpu.memory_space<vmem_shared>>) target(%arg9 : memref<64x128xf32, #tpu.memory_space<vmem>>) offsets(%dma_start3A_155 : memref<64xi32, #tpu.memory_space<vmem>>) semaphore(%arg14 : memref<!tpu.dma_semaphore, #tpu.memory_space<semaphore_mem>>)
        %mul3A_159 = arith.constant 4 : i32
        %mul3A_160 = arith.muli %scan3A_103, %mul3A_159 : i32
        %add3A_161 = arith.constant 3 : i32
        %add3A_162 = arith.addi %mul3A_160, %add3A_161 : i32
        %gt3A_163 = arith.constant 0 : i32
        %gt3A_164 = arith.cmpi sgt, %scan3A_63, %gt3A_163 : i32
        %gt3A_165 = arith.constant 0 : i32
        %gt3A_166 = arith.cmpi sgt, %scan3A_103, %gt3A_165 : i32
        %or3A_167 = arith.ori %gt3A_164, %gt3A_166 : i1
        %convert_element_type3A_168 = arith.extui %or3A_167 : i1 to i32
        %cond3A_169 = arith.constant 0 : i32
        %cond3A_170 = arith.cmpi ne, %convert_element_type3A_168, %cond3A_169 : i32
        scf.if %cond3A_170 {
          %dma_wait3A_258 = arith.constant 0 : i32
          %dma_wait3A_259 = arith.constant 0 : i32
          %dma_wait3A_260 = tpu.memref_slice %arg5[%dma_wait3A_258, %dma_wait3A_259] : memref<655360x128xf32, #tpu.memory_space<hbm>> -> memref<64x128xf32, #tpu.memory_space<hbm>>
          %dma_wait3A_261 = arith.constant 0 : i32
          %dma_wait3A_262 = arith.constant 0 : i32
          %dma_wait3A_263 = tpu.memref_slice %arg5[%dma_wait3A_261, %dma_wait3A_262] : memref<655360x128xf32, #tpu.memory_space<hbm>> -> memref<64x128xf32, #tpu.memory_space<hbm>>
          tpu.wait_dma2 semaphore(%arg19 : memref<!tpu.dma_semaphore, #tpu.memory_space<semaphore_mem>>) src(%dma_wait3A_263 : memref<64x128xf32, #tpu.memory_space<hbm>>) dst(%arg10 : memref<64x128xf32, #tpu.memory_space<vmem>>)
        } else {
        }
        %add3A_171 = arith.addi %mul3A_77, %add3A_162 : i32
        %dma_start3A_172 = arith.constant 0 : i32
        %dma_start3A_173 = tpu.memref_slice %arg6[%add3A_171, %dma_start3A_172] : memref<32x64xi32, #tpu.memory_space<vmem>> -> memref<1x64xi32, #tpu.memory_space<vmem>>
        %dma_start3A_174 = tpu.memref_squeeze %dma_start3A_173 : memref<1x64xi32, #tpu.memory_space<vmem>> -> memref<64xi32, #tpu.memory_space<vmem>>
        %dma_start3A_175 = arith.constant 0 : i32
        %dma_start3A_176 = arith.constant 0 : i32
        %dma_start3A_177 = tpu.memref_slice %arg11[%dma_start3A_175, %dma_start3A_176] : memref<10000x128xf32, #tpu.memory_space<vmem_shared>> -> memref<10000x128xf32, #tpu.memory_space<vmem_shared>>
        tpu.enqueue_indirect_dma source(%dma_start3A_177 : memref<10000x128xf32, #tpu.memory_space<vmem_shared>>) target(%arg10 : memref<64x128xf32, #tpu.memory_space<vmem>>) offsets(%dma_start3A_174 : memref<64xi32, #tpu.memory_space<vmem>>) semaphore(%arg15 : memref<!tpu.dma_semaphore, #tpu.memory_space<semaphore_mem>>)
        %mul3A_178 = arith.constant 4 : i32
        %mul3A_179 = arith.muli %scan3A_103, %mul3A_178 : i32
        %add3A_180 = arith.constant 0 : i32
        %add3A_181 = arith.addi %mul3A_179, %add3A_180 : i32
        %dma_wait3A_182 = arith.constant 0 : i32
        %dma_wait3A_183 = arith.constant 0 : i32
        %dma_wait3A_184 = tpu.memref_slice %arg5[%dma_wait3A_182, %dma_wait3A_183] : memref<655360x128xf32, #tpu.memory_space<hbm>> -> memref<64x128xf32, #tpu.memory_space<hbm>>
        %dma_wait3A_185 = arith.constant 0 : i32
        %dma_wait3A_186 = arith.constant 0 : i32
        %dma_wait3A_187 = tpu.memref_slice %arg5[%dma_wait3A_185, %dma_wait3A_186] : memref<655360x128xf32, #tpu.memory_space<hbm>> -> memref<64x128xf32, #tpu.memory_space<hbm>>
        tpu.wait_dma2 semaphore(%arg12 : memref<!tpu.dma_semaphore, #tpu.memory_space<semaphore_mem>>) src(%dma_wait3A_187 : memref<64x128xf32, #tpu.memory_space<hbm>>) dst(%arg7 : memref<64x128xf32, #tpu.memory_space<vmem>>)
        %mul3A_188 = arith.constant 16 : i32
        %mul3A_189 = arith.muli %scan3A_63, %mul3A_188 : i32
        %add3A_190 = arith.addi %mul3A_25, %mul3A_189 : i32
        %add3A_191 = arith.addi %add3A_190, %add3A_181 : i32
        %mul3A_192 = arith.constant 64 : i32
        %mul3A_193 = arith.muli %add3A_191, %mul3A_192 : i32
        %dma_start3A_194 = arith.constant 0 : i32
        %dma_start3A_195 = tpu.memref_slice %arg5[%mul3A_193, %dma_start3A_194] : memref<655360x128xf32, #tpu.memory_space<hbm>> -> memref<64x128xf32, #tpu.memory_space<hbm>>
        %dma_start3A_196 = arith.constant 0 : i32
        %dma_start3A_197 = tpu.memref_slice %arg5[%mul3A_193, %dma_start3A_196] : memref<655360x128xf32, #tpu.memory_space<hbm>> -> memref<64x128xf32, #tpu.memory_space<hbm>>
        tpu.enqueue_dma source(%arg7 : memref<64x128xf32, #tpu.memory_space<vmem>>) target(%dma_start3A_197 : memref<64x128xf32, #tpu.memory_space<hbm>>) target_semaphore(%arg16 : memref<!tpu.dma_semaphore, #tpu.memory_space<semaphore_mem>>)
        %mul3A_198 = arith.constant 4 : i32
        %mul3A_199 = arith.muli %scan3A_103, %mul3A_198 : i32
        %add3A_200 = arith.constant 1 : i32
        %add3A_201 = arith.addi %mul3A_199, %add3A_200 : i32
        %dma_wait3A_202 = arith.constant 0 : i32
        %dma_wait3A_203 = arith.constant 0 : i32
        %dma_wait3A_204 = tpu.memref_slice %arg5[%dma_wait3A_202, %dma_wait3A_203] : memref<655360x128xf32, #tpu.memory_space<hbm>> -> memref<64x128xf32, #tpu.memory_space<hbm>>
        %dma_wait3A_205 = arith.constant 0 : i32
        %dma_wait3A_206 = arith.constant 0 : i32
        %dma_wait3A_207 = tpu.memref_slice %arg5[%dma_wait3A_205, %dma_wait3A_206] : memref<655360x128xf32, #tpu.memory_space<hbm>> -> memref<64x128xf32, #tpu.memory_space<hbm>>
        tpu.wait_dma2 semaphore(%arg13 : memref<!tpu.dma_semaphore, #tpu.memory_space<semaphore_mem>>) src(%dma_wait3A_207 : memref<64x128xf32, #tpu.memory_space<hbm>>) dst(%arg8 : memref<64x128xf32, #tpu.memory_space<vmem>>)
        %mul3A_208 = arith.constant 16 : i32
        %mul3A_209 = arith.muli %scan3A_63, %mul3A_208 : i32
        %add3A_210 = arith.addi %mul3A_25, %mul3A_209 : i32
        %add3A_211 = arith.addi %add3A_210, %add3A_201 : i32
        %mul3A_212 = arith.constant 64 : i32
        %mul3A_213 = arith.muli %add3A_211, %mul3A_212 : i32
        %dma_start3A_214 = arith.constant 0 : i32
        %dma_start3A_215 = tpu.memref_slice %arg5[%mul3A_213, %dma_start3A_214] : memref<655360x128xf32, #tpu.memory_space<hbm>> -> memref<64x128xf32, #tpu.memory_space<hbm>>
        %dma_start3A_216 = arith.constant 0 : i32
        %dma_start3A_217 = tpu.memref_slice %arg5[%mul3A_213, %dma_start3A_216] : memref<655360x128xf32, #tpu.memory_space<hbm>> -> memref<64x128xf32, #tpu.memory_space<hbm>>
        tpu.enqueue_dma source(%arg8 : memref<64x128xf32, #tpu.memory_space<vmem>>) target(%dma_start3A_217 : memref<64x128xf32, #tpu.memory_space<hbm>>) target_semaphore(%arg17 : memref<!tpu.dma_semaphore, #tpu.memory_space<semaphore_mem>>)
        %mul3A_218 = arith.constant 4 : i32
        %mul3A_219 = arith.muli %scan3A_103, %mul3A_218 : i32
        %add3A_220 = arith.constant 2 : i32
        %add3A_221 = arith.addi %mul3A_219, %add3A_220 : i32
        %dma_wait3A_222 = arith.constant 0 : i32
        %dma_wait3A_223 = arith.constant 0 : i32
        %dma_wait3A_224 = tpu.memref_slice %arg5[%dma_wait3A_222, %dma_wait3A_223] : memref<655360x128xf32, #tpu.memory_space<hbm>> -> memref<64x128xf32, #tpu.memory_space<hbm>>
        %dma_wait3A_225 = arith.constant 0 : i32
        %dma_wait3A_226 = arith.constant 0 : i32
        %dma_wait3A_227 = tpu.memref_slice %arg5[%dma_wait3A_225, %dma_wait3A_226] : memref<655360x128xf32, #tpu.memory_space<hbm>> -> memref<64x128xf32, #tpu.memory_space<hbm>>
        tpu.wait_dma2 semaphore(%arg14 : memref<!tpu.dma_semaphore, #tpu.memory_space<semaphore_mem>>) src(%dma_wait3A_227 : memref<64x128xf32, #tpu.memory_space<hbm>>) dst(%arg9 : memref<64x128xf32, #tpu.memory_space<vmem>>)
        %mul3A_228 = arith.constant 16 : i32
        %mul3A_229 = arith.muli %scan3A_63, %mul3A_228 : i32
        %add3A_230 = arith.addi %mul3A_25, %mul3A_229 : i32
        %add3A_231 = arith.addi %add3A_230, %add3A_221 : i32
        %mul3A_232 = arith.constant 64 : i32
        %mul3A_233 = arith.muli %add3A_231, %mul3A_232 : i32
        %dma_start3A_234 = arith.constant 0 : i32
        %dma_start3A_235 = tpu.memref_slice %arg5[%mul3A_233, %dma_start3A_234] : memref<655360x128xf32, #tpu.memory_space<hbm>> -> memref<64x128xf32, #tpu.memory_space<hbm>>
        %dma_start3A_236 = arith.constant 0 : i32
        %dma_start3A_237 = tpu.memref_slice %arg5[%mul3A_233, %dma_start3A_236] : memref<655360x128xf32, #tpu.memory_space<hbm>> -> memref<64x128xf32, #tpu.memory_space<hbm>>
        tpu.enqueue_dma source(%arg9 : memref<64x128xf32, #tpu.memory_space<vmem>>) target(%dma_start3A_237 : memref<64x128xf32, #tpu.memory_space<hbm>>) target_semaphore(%arg18 : memref<!tpu.dma_semaphore, #tpu.memory_space<semaphore_mem>>)
        %mul3A_238 = arith.constant 4 : i32
        %mul3A_239 = arith.muli %scan3A_103, %mul3A_238 : i32
        %add3A_240 = arith.constant 3 : i32
        %add3A_241 = arith.addi %mul3A_239, %add3A_240 : i32
        %dma_wait3A_242 = arith.constant 0 : i32
        %dma_wait3A_243 = arith.constant 0 : i32
        %dma_wait3A_244 = tpu.memref_slice %arg5[%dma_wait3A_242, %dma_wait3A_243] : memref<655360x128xf32, #tpu.memory_space<hbm>> -> memref<64x128xf32, #tpu.memory_space<hbm>>
        %dma_wait3A_245 = arith.constant 0 : i32
        %dma_wait3A_246 = arith.constant 0 : i32
        %dma_wait3A_247 = tpu.memref_slice %arg5[%dma_wait3A_245, %dma_wait3A_246] : memref<655360x128xf32, #tpu.memory_space<hbm>> -> memref<64x128xf32, #tpu.memory_space<hbm>>
        tpu.wait_dma2 semaphore(%arg15 : memref<!tpu.dma_semaphore, #tpu.memory_space<semaphore_mem>>) src(%dma_wait3A_247 : memref<64x128xf32, #tpu.memory_space<hbm>>) dst(%arg10 : memref<64x128xf32, #tpu.memory_space<vmem>>)
        %mul3A_248 = arith.constant 16 : i32
        %mul3A_249 = arith.muli %scan3A_63, %mul3A_248 : i32
        %add3A_250 = arith.addi %mul3A_25, %mul3A_249 : i32
        %add3A_251 = arith.addi %add3A_250, %add3A_241 : i32
        %mul3A_252 = arith.constant 64 : i32
        %mul3A_253 = arith.muli %add3A_251, %mul3A_252 : i32
        %dma_start3A_254 = arith.constant 0 : i32
        %dma_start3A_255 = tpu.memref_slice %arg5[%mul3A_253, %dma_start3A_254] : memref<655360x128xf32, #tpu.memory_space<hbm>> -> memref<64x128xf32, #tpu.memory_space<hbm>>
        %dma_start3A_256 = arith.constant 0 : i32
        %dma_start3A_257 = tpu.memref_slice %arg5[%mul3A_253, %dma_start3A_256] : memref<655360x128xf32, #tpu.memory_space<hbm>> -> memref<64x128xf32, #tpu.memory_space<hbm>>
        tpu.enqueue_dma source(%arg10 : memref<64x128xf32, #tpu.memory_space<vmem>>) target(%dma_start3A_257 : memref<64x128xf32, #tpu.memory_space<hbm>>) target_semaphore(%arg19 : memref<!tpu.dma_semaphore, #tpu.memory_space<semaphore_mem>>)
      }
      %scan3A_102 = arith.constant 4 : i32
    }
    %scan3A_39 = arith.constant 20 : i32
    %dma_wait3A = arith.constant 0 : i32
    %dma_wait3A_40 = arith.constant 0 : i32
    %dma_wait3A_41 = tpu.memref_slice %arg5[%dma_wait3A, %dma_wait3A_40] : memref<655360x128xf32, #tpu.memory_space<hbm>> -> memref<64x128xf32, #tpu.memory_space<hbm>>
    %dma_wait3A_42 = arith.constant 0 : i32
    %dma_wait3A_43 = arith.constant 0 : i32
    %dma_wait3A_44 = tpu.memref_slice %arg5[%dma_wait3A_42, %dma_wait3A_43] : memref<655360x128xf32, #tpu.memory_space<hbm>> -> memref<64x128xf32, #tpu.memory_space<hbm>>
    tpu.wait_dma2 semaphore(%arg16 : memref<!tpu.dma_semaphore, #tpu.memory_space<semaphore_mem>>) src(%dma_wait3A_44 : memref<64x128xf32, #tpu.memory_space<hbm>>) dst(%arg7 : memref<64x128xf32, #tpu.memory_space<vmem>>)
    %dma_wait3A_45 = arith.constant 0 : i32
    %dma_wait3A_46 = arith.constant 0 : i32
    %dma_wait3A_47 = tpu.memref_slice %arg5[%dma_wait3A_45, %dma_wait3A_46] : memref<655360x128xf32, #tpu.memory_space<hbm>> -> memref<64x128xf32, #tpu.memory_space<hbm>>
    %dma_wait3A_48 = arith.constant 0 : i32
    %dma_wait3A_49 = arith.constant 0 : i32
    %dma_wait3A_50 = tpu.memref_slice %arg5[%dma_wait3A_48, %dma_wait3A_49] : memref<655360x128xf32, #tpu.memory_space<hbm>> -> memref<64x128xf32, #tpu.memory_space<hbm>>
    tpu.wait_dma2 semaphore(%arg17 : memref<!tpu.dma_semaphore, #tpu.memory_space<semaphore_mem>>) src(%dma_wait3A_50 : memref<64x128xf32, #tpu.memory_space<hbm>>) dst(%arg8 : memref<64x128xf32, #tpu.memory_space<vmem>>)
    %dma_wait3A_51 = arith.constant 0 : i32
    %dma_wait3A_52 = arith.constant 0 : i32
    %dma_wait3A_53 = tpu.memref_slice %arg5[%dma_wait3A_51, %dma_wait3A_52] : memref<655360x128xf32, #tpu.memory_space<hbm>> -> memref<64x128xf32, #tpu.memory_space<hbm>>
    %dma_wait3A_54 = arith.constant 0 : i32
    %dma_wait3A_55 = arith.constant 0 : i32
    %dma_wait3A_56 = tpu.memref_slice %arg5[%dma_wait3A_54, %dma_wait3A_55] : memref<655360x128xf32, #tpu.memory_space<hbm>> -> memref<64x128xf32, #tpu.memory_space<hbm>>
    tpu.wait_dma2 semaphore(%arg18 : memref<!tpu.dma_semaphore, #tpu.memory_space<semaphore_mem>>) src(%dma_wait3A_56 : memref<64x128xf32, #tpu.memory_space<hbm>>) dst(%arg9 : memref<64x128xf32, #tpu.memory_space<vmem>>)
    %dma_wait3A_57 = arith.constant 0 : i32
    %dma_wait3A_58 = arith.constant 0 : i32
    %dma_wait3A_59 = tpu.memref_slice %arg5[%dma_wait3A_57, %dma_wait3A_58] : memref<655360x128xf32, #tpu.memory_space<hbm>> -> memref<64x128xf32, #tpu.memory_space<hbm>>
    %dma_wait3A_60 = arith.constant 0 : i32
    %dma_wait3A_61 = arith.constant 0 : i32
    %dma_wait3A_62 = tpu.memref_slice %arg5[%dma_wait3A_60, %dma_wait3A_61] : memref<655360x128xf32, #tpu.memory_space<hbm>> -> memref<64x128xf32, #tpu.memory_space<hbm>>
    tpu.wait_dma2 semaphore(%arg19 : memref<!tpu.dma_semaphore, #tpu.memory_space<semaphore_mem>>) src(%dma_wait3A_62 : memref<64x128xf32, #tpu.memory_space<hbm>>) dst(%arg10 : memref<64x128xf32, #tpu.memory_space<vmem>>)
    return
  }
}

module attributes {stable_mosaic.version = 14 : i64} {
  func.func @_node_tables_kernel(%arg0: i32, %arg1: memref<2000x128xf32, #tpu.memory_space<vmem>>, %arg2: memref<128x128xf32, #tpu.memory_space<vmem>>, %arg3: memref<128x128xf32, #tpu.memory_space<vmem>>, %arg4: memref<2000x128xf32, #tpu.memory_space<vmem>>, %arg5: memref<2000x128xf32, #tpu.memory_space<vmem>>) attributes {dimension_semantics = [#tpu.dimension_semantics<arbitrary>], iteration_bounds = array<i64: 5>, scalar_prefetch = 0 : i64, scratch_operands = 0 : i64, tpu.core_type = #tpu.core_type<tc>, window_params = [{transform_indices = @transform_0, window_bounds = array<i64: 2000, 128>}, {pipeline_mode = #tpu.pipeline_mode<synchronous>, transform_indices = @transform_1, window_bounds = array<i64: 128, 128>}, {pipeline_mode = #tpu.pipeline_mode<synchronous>, transform_indices = @transform_2, window_bounds = array<i64: 128, 128>}, {transform_indices = @transform_3, window_bounds = array<i64: 2000, 128>}, {transform_indices = @transform_4, window_bounds = array<i64: 2000, 128>}]} {
    %get3A = arith.constant 0 : index
    %get3A_0 = arith.constant 0 : index
    %get3A_1 = vector.load %arg1[%get3A, %get3A_0] : memref<2000x128xf32, #tpu.memory_space<vmem>>, vector<2000x128xf32>
    %get3A_2 = arith.constant 0 : index
    %get3A_3 = arith.constant 0 : index
    %get3A_4 = vector.load %arg2[%get3A_2, %get3A_3] : memref<128x128xf32, #tpu.memory_space<vmem>>, vector<128x128xf32>
    %dot_general3A = arith.constant dense<0.000000e+00> : vector<2000x128xf32>
    %dot_general3A_5 = tpu.matmul %get3A_1, %get3A_4, %dot_general3A {dimension_numbers = #tpu.dot_dimension_numbers<[1], [0], [0], [1], [0, 0, 1, 1], [], []>, transpose_lhs_hint = false} : vector<2000x128xf32>, vector<128x128xf32>, vector<2000x128xf32> -> vector<2000x128xf32>
    %swap3A = arith.constant 0 : index
    %swap3A_6 = arith.constant 0 : index
    %swap3A_7 = vector.load %arg4[%swap3A, %swap3A_6] : memref<2000x128xf32, #tpu.memory_space<vmem>>, vector<2000x128xf32>
    tpu.vector_store %arg4[%swap3A, %swap3A_6], %dot_general3A_5 {strides = array<i32>} : memref<2000x128xf32, #tpu.memory_space<vmem>>, vector<2000x128xf32>,
    %get3A_8 = arith.constant 0 : index
    %get3A_9 = arith.constant 0 : index
    %get3A_10 = vector.load %arg3[%get3A_8, %get3A_9] : memref<128x128xf32, #tpu.memory_space<vmem>>, vector<128x128xf32>
    %dot_general3A_11 = arith.constant dense<0.000000e+00> : vector<2000x128xf32>
    %dot_general3A_12 = tpu.matmul %get3A_1, %get3A_10, %dot_general3A_11 {dimension_numbers = #tpu.dot_dimension_numbers<[1], [0], [0], [1], [0, 0, 1, 1], [], []>, transpose_lhs_hint = false} : vector<2000x128xf32>, vector<128x128xf32>, vector<2000x128xf32> -> vector<2000x128xf32>
    %swap3A_13 = arith.constant 0 : index
    %swap3A_14 = arith.constant 0 : index
    %swap3A_15 = vector.load %arg5[%swap3A_13, %swap3A_14] : memref<2000x128xf32, #tpu.memory_space<vmem>>, vector<2000x128xf32>
    tpu.vector_store %arg5[%swap3A_13, %swap3A_14], %dot_general3A_12 {strides = array<i32>} : memref<2000x128xf32, #tpu.memory_space<vmem>>, vector<2000x128xf32>,
    return
  }
  func.func @transform_0(%arg0: i32) -> (i32, i32) {
    %c0_i32 = arith.constant 0 : i32
    %c0_i32_0 = arith.constant 0 : i32
    return %arg0, %c0_i32 : i32, i32
  }
  func.func @transform_1(%arg0: i32) -> (i32, i32) {
    %c0_i32 = arith.constant 0 : i32
    %c0_i32_0 = arith.constant 0 : i32
    %c0_i32_1 = arith.constant 0 : i32
    return %c0_i32, %c0_i32_0 : i32, i32
  }
  func.func @transform_2(%arg0: i32) -> (i32, i32) {
    %c0_i32 = arith.constant 0 : i32
    %c0_i32_0 = arith.constant 0 : i32
    %c0_i32_1 = arith.constant 0 : i32
    return %c0_i32, %c0_i32_0 : i32, i32
  }
  func.func @transform_3(%arg0: i32) -> (i32, i32) {
    %c0_i32 = arith.constant 0 : i32
    %c0_i32_0 = arith.constant 0 : i32
    return %arg0, %c0_i32 : i32, i32
  }
  func.func @transform_4(%arg0: i32) -> (i32, i32) {
    %c0_i32 = arith.constant 0 : i32
    %c0_i32_0 = arith.constant 0 : i32
    return %arg0, %c0_i32 : i32, i32
  }
}

module attributes {stable_mosaic.version = 14 : i64} {
  func.func @_edge_out_kernel(%arg0: i32, %arg1: memref<2560x128xf32, #tpu.memory_space<vmem>>, %arg2: memref<2560x128xf32, #tpu.memory_space<vmem>>, %arg3: memref<2560x128xf32, #tpu.memory_space<vmem>>, %arg4: memref<128x128xf32, #tpu.memory_space<vmem>>, %arg5: memref<1x128xf32, #tpu.memory_space<vmem>>, %arg6: memref<2560x128xf32, #tpu.memory_space<vmem>>) attributes {dimension_semantics = [#tpu.dimension_semantics<arbitrary>], iteration_bounds = array<i64: 125>, scalar_prefetch = 0 : i64, scratch_operands = 0 : i64, tpu.core_type = #tpu.core_type<tc>, window_params = [{transform_indices = @transform_0, window_bounds = array<i64: 2560, 128>}, {transform_indices = @transform_1, window_bounds = array<i64: 2560, 128>}, {transform_indices = @transform_2, window_bounds = array<i64: 2560, 128>}, {pipeline_mode = #tpu.pipeline_mode<synchronous>, transform_indices = @transform_3, window_bounds = array<i64: 128, 128>}, {pipeline_mode = #tpu.pipeline_mode<synchronous>, transform_indices = @transform_4, window_bounds = array<i64: 1, 128>}, {transform_indices = @transform_5, window_bounds = array<i64: 2560, 128>}]} {
    %get3A = arith.constant 0 : index
    %get3A_0 = arith.constant 0 : index
    %get3A_1 = vector.load %arg1[%get3A, %get3A_0] : memref<2560x128xf32, #tpu.memory_space<vmem>>, vector<2560x128xf32>
    %get3A_2 = arith.constant 0 : index
    %get3A_3 = arith.constant 0 : index
    %get3A_4 = vector.load %arg4[%get3A_2, %get3A_3] : memref<128x128xf32, #tpu.memory_space<vmem>>, vector<128x128xf32>
    %dot_general3A = arith.constant dense<0.000000e+00> : vector<2560x128xf32>
    %dot_general3A_5 = tpu.matmul %get3A_1, %get3A_4, %dot_general3A {dimension_numbers = #tpu.dot_dimension_numbers<[1], [0], [0], [1], [0, 0, 1, 1], [], []>, transpose_lhs_hint = false} : vector<2560x128xf32>, vector<128x128xf32>, vector<2560x128xf32> -> vector<2560x128xf32>
    %get3A_6 = arith.constant 0 : index
    %get3A_7 = arith.constant 0 : index
    %get3A_8 = vector.load %arg2[%get3A_6, %get3A_7] : memref<2560x128xf32, #tpu.memory_space<vmem>>, vector<2560x128xf32>
    %add3A = arith.addf %dot_general3A_5, %get3A_8 : vector<2560x128xf32>
    %get3A_9 = arith.constant 0 : index
    %get3A_10 = arith.constant 0 : index
    %get3A_11 = vector.load %arg3[%get3A_9, %get3A_10] : memref<2560x128xf32, #tpu.memory_space<vmem>>, vector<2560x128xf32>
    %add3A_12 = arith.addf %add3A, %get3A_11 : vector<2560x128xf32>
    %get3A_13 = arith.constant 0 : index
    %get3A_14 = arith.constant 0 : index
    %get3A_15 = vector.load %arg5[%get3A_13, %get3A_14] : memref<1x128xf32, #tpu.memory_space<vmem>>, vector<1x128xf32>
    %add3A_16 = vector.broadcast %get3A_15 : vector<1x128xf32> to vector<2560x128xf32>
    %add3A_17 = arith.addf %add3A_12, %add3A_16 : vector<2560x128xf32>
    %swap3A = arith.constant 0 : index
    %swap3A_18 = arith.constant 0 : index
    %swap3A_19 = vector.load %arg6[%swap3A, %swap3A_18] : memref<2560x128xf32, #tpu.memory_space<vmem>>, vector<2560x128xf32>
    tpu.vector_store %arg6[%swap3A, %swap3A_18], %add3A_17 {strides = array<i32>} : memref<2560x128xf32, #tpu.memory_space<vmem>>, vector<2560x128xf32>,
    return
  }
  func.func @transform_0(%arg0: i32) -> (i32, i32) {
    %add3A = arith.constant 0 : i32
    %add3A_0 = arith.addi %arg0, %add3A : i32
    %c0_i32 = arith.constant 0 : i32
    %c0_i32_1 = arith.constant 0 : i32
    return %add3A_0, %c0_i32 : i32, i32
  }
  func.func @transform_1(%arg0: i32) -> (i32, i32) {
    %c0_i32 = arith.constant 0 : i32
    %c0_i32_0 = arith.constant 0 : i32
    return %arg0, %c0_i32 : i32, i32
  }
  func.func @transform_2(%arg0: i32) -> (i32, i32) {
    %add3A = arith.constant 128 : i32
    %add3A_0 = arith.addi %arg0, %add3A : i32
    %c0_i32 = arith.constant 0 : i32
    %c0_i32_1 = arith.constant 0 : i32
    return %add3A_0, %c0_i32 : i32, i32
  }
  func.func @transform_3(%arg0: i32) -> (i32, i32) {
    %c0_i32 = arith.constant 0 : i32
    %c0_i32_0 = arith.constant 0 : i32
    %c0_i32_1 = arith.constant 0 : i32
    return %c0_i32, %c0_i32_0 : i32, i32
  }
  func.func @transform_4(%arg0: i32) -> (i32, i32) {
    %c0_i32 = arith.constant 0 : i32
    %c0_i32_0 = arith.constant 0 : i32
    %c0_i32_1 = arith.constant 0 : i32
    return %c0_i32, %c0_i32_0 : i32, i32
  }
  func.func @transform_5(%arg0: i32) -> (i32, i32) {
    %add3A = arith.constant 0 : i32
    %add3A_0 = arith.addi %arg0, %add3A : i32
    %c0_i32 = arith.constant 0 : i32
    %c0_i32_1 = arith.constant 0 : i32
    return %add3A_0, %c0_i32 : i32, i32
  }
}

</mosaic_0001>

<sc_bundles>
// kernel: kernel.5.cloned.1.call-start
scs
__scs_entry_jumppad:
0x0: {  	(pc) =	sbr.rel $0x88, $3  }
0x1: {  	(tag) =	ssettag $0x0;
	lr =	simm.s32 $0x1  }
0x2: {  	[smem:$0x3F9C] =	sst lr;
	_ =	strace $0xD0000000  }
0x3: {  	_ = 	snop  }
0x4: {  	_ = 	snop  }
0x5: {  	_ = 	snop  }
0x6: {  	_ = 	snop  }
0x7: {  	_ = 	snop  }
__scs_overlays_trampoline_lowered:
0x8: {  	[smem:$0x3FAB] =	sst s0  }
0x9: {  	[smem:$0x3FAC] =	sst s1  }
0xa: {  	[smem:$0x3FAD] =	sst s2  }
0xb: {  	[smem:$0x3FAE] =	sst s3  }
0xc: {  	[smem:$0x3FAF] =	sst s4  }
0xd: {  	[smem:$0x3FB0] =	sst s5  }
0xe: {  	[smem:$0x3FB1] =	sst s6  }
0xf: {  	[smem:$0x3FB2] =	sst s7  }
0x10: {  	[smem:$0x3FB3] =	sst s8  }
0x11: {  	[smem:$0x3FB4] =	sst s9;
	s0 =	simm.s32 @!p0 $0x0  }
0x12: {  	s1 =	sld [smem:$0x3F9A];
	s0 =	simm.s32 @p0 $0x1  }
0x13: {  	[smem:$0x3FB5] =	sst s0;
	s0 =	simm.s32 @!p1 $0x0  }
0x14: {  	s2 =	sld [smem:$0x3F99];
	s0 =	simm.s32 @p1 $0x1  }
0x15: {  	[smem:$0x3FB6] =	sst s0;
	s0 =	simm.s32 @!p2 $0x0  }
0x16: {  	s3 =	sld [smem:$0x3FDB];
	s0 =	simm.s32 @p2 $0x1  }
0x17: {  	s4 =	simm.s32 $0x1BF5;
	[smem:$0x3FB8] =	sst s0  }
0x18: {  	s0 =	sld [smem:$0x3F9B];
	_ =	swait.ge [sflag:s4], $0x0  }
0x19: {  	s7 =	sld [smem:$0x3F9C]  }
0x1a: {  	s8 =	sadd.s32 $0xFFFFE003, lr  }
0x1b: {  	s9 =	sadd.s32 $0xFFFFFEF7, lr;
	s5 =	simm.s32 $0xFFFFFFFF;
	p2 =	slt.u32 s8, $0xFFFFF086  }
0x1c: {  	p1 =	slt.u32 s9, $0xF7A;
	s5 =	simm.s32 @!p2 $0x0  }
0x1d: {  	s5 =	simm.s32 @p1 $0x1;
	p0 =	seq.s32 s7, s2  }
0x1e: {  	s7 =	smul.u32 @!p0 $0xF7A, s2;
	p2 =	seq.s32 @!p0 s5, $0x0  }
0x1f: {  	s9 =	smul.u32 $0xF7A, s1;
	s8 =	simm.s32 @!p0 $0x1BF5;
	p2 =	por !p2, p0  }
0x20: {  	[sflag:s8] =	ssyncset.s32 @!p0 $0xFFFFF086;
	s6 =	sadd.s32 @!p0 s3, s7;
	s7 =	simm.s32 @!p0 $0x108  }
0x21: {  	s3 =	sadd.s32 s3, s9;
	s6 =	sadd.s32 @!p0 $0x88, s6;
	s7 =	simm.s32 @p2 $0x1082  }
0x22: {  	[simem:s7], [sflag:s8] =	dma.local @!p0 [hbm:s6], $0xF7A  }
0x23: {  	s9 =	sor.u32 $0xD0000000, s2;
	s6 =	simm.s32 $0x108;
	_ =	swait.ge @!p0 [sflag:s8], $0x0  }
0x24: {  	s3 =	sadd.s32 $0x88, s3;
	s6 =	simm.s32 @!p1 $0x1082;
	[sflag:s4] =	ssyncset.s32 $0xFFFFF086  }
0x25: {  	[simem:s6], [sflag:s4] =	dma.local [hbm:s3], $0xF7A  }
0x26: {  	[smem:$0x3F9C] =	sst s1;
	(tag) =	ssettag s2;
	_ =	strace s9  }
0x27: {  	s1 =	sld [smem:$0x3FAC]  }
0x28: {  	s2 =	sld [smem:$0x3FAD]  }
0x29: {  	s4 =	sld [smem:$0x3FAF]  }
0x2a: {  	p0 =	seq.s32 s5, $0x0;
	s5 =	sld [smem:$0x3FB0]  }
0x2b: {  	s6 =	sld [smem:$0x3FB1]  }
0x2c: {  	s7 =	sld [smem:$0x3FB2]  }
0x2d: {  	s3 =	simm.s32 $0x108;
	s8 =	sld [smem:$0x3FB3]  }
0x2e: {  	s3 =	simm.s32 @!p0 $0x1082;
	s9 =	sld [smem:$0x3FB4]  }
0x2f: {  	lr =	sadd.s32 s0, s3;
	s0 =	sld [smem:$0x3FAB]  }
0x30: {  	s3 =	sld [smem:$0x3FAE]  }
0x31: {  	[smem:$0x3FB7] =	sst s10  }
0x32: {  	s10 =	sld [smem:$0x3FB5];
	_ =	sdelay $0x3  }
0x33: {  	p0 =	seq.s32 s10, $0x1;
	s10 =	sld [smem:$0x3FB7];
	_ =	sdelay $0x3  }
0x34: {  	[smem:$0x3FB7] =	sst s10  }
0x35: {  	s10 =	sld [smem:$0x3FB6];
	_ =	sdelay $0x3  }
0x36: {  	p1 =	seq.s32 s10, $0x1;
	s10 =	sld [smem:$0x3FB7];
	_ =	sdelay $0x3  }
0x37: {  	[smem:$0x3FB7] =	sst s10  }
0x38: {  	s10 =	sld [smem:$0x3FB8]  }
0x39: {  	_ = 	snop;
	(pc) =	sbr.ind lr, $3  }
0x3a: {  	_ = 	snop  }
0x3b: {  	_ = 	snop  }
0x3c: {  	p2 =	seq.s32 s10, $0x1;
	s10 =	sld [smem:$0x3FB7]  }
0x3d: {  	_ =	shalt  }
0x3e: {  	_ =	shalt  }
0x3f: {  	_ =	shalt  }
0x40: {  	_ =	shalt  }
0x41: {  	_ =	shalt  }
0x42: {  	_ =	shalt  }
0x43: {  	_ =	shalt  }
0x44: {  	_ =	shalt  }
0x45: {  	_ =	shalt  }
0x46: {  	_ =	shalt  }
0x47: {  	_ =	shalt  }
0x48: {  	_ =	shalt  }
0x49: {  	_ =	shalt  }
0x4a: {  	_ =	shalt  }
0x4b: {  	_ =	shalt  }
0x4c: {  	_ =	shalt  }
0x4d: {  	_ =	shalt  }
0x4e: {  	_ =	shalt  }
0x4f: {  	_ =	shalt  }
0x50: {  	_ =	shalt  }
0x51: {  	_ =	shalt  }
0x52: {  	_ =	shalt  }
0x53: {  	_ =	shalt  }
0x54: {  	_ =	shalt  }
0x55: {  	_ =	shalt  }
0x56: {  	_ =	shalt  }
0x57: {  	_ =	shalt  }
0x58: {  	_ =	shalt  }
0x59: {  	_ =	shalt  }
0x5a: {  	_ =	shalt  }
0x5b: {  	_ =	shalt  }
0x5c: {  	_ =	shalt  }
0x5d: {  	_ =	shalt  }
0x5e: {  	_ =	shalt  }
0x5f: {  	_ =	shalt  }
0x60: {  	_ =	shalt  }
0x61: {  	_ =	shalt  }
0x62: {  	_ =	shalt  }
0x63: {  	_ =	shalt  }
0x64: {  	_ =	shalt  }
0x65: {  	_ =	shalt  }
0x66: {  	_ =	shalt  }
0x67: {  	_ =	shalt  }
0x68: {  	_ =	shalt  }
0x69: {  	_ =	shalt  }
0x6a: {  	_ =	shalt  }
0x6b: {  	_ =	shalt  }
0x6c: {  	_ =	shalt  }
0x6d: {  	_ =	shalt  }
0x6e: {  	_ =	shalt  }
0x6f: {  	_ =	shalt  }
0x70: {  	_ =	shalt  }
0x71: {  	_ =	shalt  }
0x72: {  	_ =	shalt  }
0x73: {  	_ =	shalt  }
0x74: {  	_ =	shalt  }
0x75: {  	_ =	shalt  }
0x76: {  	_ =	shalt  }
0x77: {  	_ =	shalt  }
0x78: {  	_ =	shalt  }
0x79: {  	_ =	shalt  }
0x7a: {  	_ =	shalt  }
0x7b: {  	_ =	shalt  }
0x7c: {  	_ =	shalt  }
0x7d: {  	_ =	shalt  }
0x7e: {  	_ =	shalt  }
0x7f: {  	_ =	shalt  }
0x80: {  	_ =	shalt  }
0x81: {  	_ =	shalt  }
0x82: {  	_ =	shalt  }
0x83: {  	_ =	shalt  }
0x84: {  	_ =	shalt  }
0x85: {  	_ =	shalt  }
0x86: {  	_ =	shalt  }
0x87: {  	_ =	shalt  }
.Lfunc_end0:
.L_simem_size_0:
called_computation_lowered:
.L_overlay_start_0:
0x88: {  	s2 =	sld [smem:$0x3FD9]  }
0x89: {  	s3 =	sld [smem:$0x3FFE];
	_ =	sdelay $0x1  }
0x8a: {  	s1 =	srdreg.scid  }
0x8b: {  	s0 =	sand.u32 $0x1, s1  }
0x8c: {  	s17 =	sshll.u32 s0, $0xA;
	s2 =	sadd.s32 s3, s2  }
0x8d: {  	s2 =	sadd.s32 s2, s17  }
0x8e: {  	[smem:$0x3FC3] =	sst s2  }
0x8f: {  	_ = 	snop  }
0x90: {  	s2 =	sld [smem:$0x3FD0];
	(tm) =	ssettm $0x1  }
0x91: {  	s18 =	sld [smem:$0x3FFB];
	_ =	sdelay $0x3  }
0x92: {  	_ =	strace s18  }
0x93: {  	s3 =	sld [smem:$0x3FFC];
	_ =	sdelay $0x3  }
0x94: {  	_ =	strace s3  }
0x95: {  	s3 =	sld [smem:$0x3FFD];
	_ =	sdelay $0x3  }
0x96: {  	_ =	strace s3  }
0x97: {  	_ =	strace $0x8FFFFFFF  }
0x98: {  	s19 =	sld [smem:$0x3FDB];
	_ =	sdelay $0x1  }
0x99: {  	s4 =	simm.s32 $_scs_section_size  }
0x9a: {  	s5 =	simm.s32 $_size__tile_overlayer_lowered;
	s6 =	simm.s32 $_tile_overlayer_lowered  }
0x9b: {  	s22 =	simm.s32 $0x1BFF;
	s21 =	sshll.u32 s6, $0x1;
	s3 =	sadd.s32 s4, s19  }
0x9c: {  	s7 =	simm.s32 $0x0;
	s20 =	sshll.u32 s5, $0x1;
	s5 =	sadd.s32 s21, s3  }
0x9d: {  	[timem:s7], [sflag:s22] =	dma.local [hbm:s5], s20  }
0x9e: {  	_ =	swait.ge [sflag:s22], s20  }
0x9f: {  	s4 =	ssub.s32 $0x0, s20;
	[sflag:s22] =	ssyncset.done $0x0  }
0xa0: {  	[sflag:s22] =	ssyncadd.s32 s4;
	_ =	sdelay $0x1  }
0xa1: {  	s23 =	simm.s32 $0x1B8B  }
0xa2: {  	_ =	swait.ge [sflag:s23], $0x1  }
0xa3: {  	[sflag:s23] =	ssyncset.done $0x0  }
0xa4: {  	s25 =	simm.s32 $0x1B8E;
	s24 =	sld [smem:$0x3FFE];
	[sflag:s23] =	ssyncadd.s32 $0xFFFFFFFF  }
0xa5: {  	s26 =	simm.s32 $execute0_lowered;
	[smem:$0x3FD2] =	sst s25  }
0xa6: {  	s5 =	sshll.u32 s26, $0x1;
	_ =	strace $0x80000046;
	[dreg:$0x1] =	wrdreg $0xFFFFFFFF  }
0xa7: {  	s28 =	simm.s32 $_size_execute0_lowered;
	s3 =	sadd.s32 s3, s5;
	[dreg:$0x0] =	wrdreg $0x0  }
0xa8: {  	s5 =	sshll.u32 s28, $0x1;
	[dreg:$0x2] =	wrdreg s3  }
0xa9: {  	[dreg:$0x3] =	wrdreg s5  }
0xaa: {  	[dreg:$0x4] =	wrdreg $0xC0  }
0xab: {  	_ =	task [dreg:s7], $0x5FFFF  }
0xac: {  	[dreg:$0x1] =	wrdreg $0xFFFFFFFF  }
0xad: {  	[dreg:$0x0] =	wrdreg $0x60  }
0xae: {  	[dreg:$0x2] =	wrdreg s24  }
0xaf: {  	[dreg:$0x3] =	wrdreg s2  }
0xb0: {  	[dreg:$0x4] =	wrdreg $0x90000  }
0xb1: {  	[dreg:$0x5] =	wrdreg $0x9  }
0xb2: {  	_ =	task.clear_ibuf [dreg:s7], $0x6FFFF;
	_ =	strace $0x90000046  }
0xb3: {  	s29 =	simm.s32 $0x9;
	_ =	strace $0x80000048  }
0xb4: {  	_ =	swait.ge [sflag:s29], $0x1  }
0xb5: {  	[sflag:s29] =	ssyncadd.s32 $0xFFFFFFFF  }
0xb6: {  	_ =	strace $0x90000048  }
0xb7: {  	_ =	sfence  }
0xb8: {  	s30 =	sld [smem:$0x0];
	_ =	sdelay $0x2  }
0xb9: {  	s31 =	sshll.u32 s1, $0xD;
	s1 =	sshrl.u32 s1, $0x2  }
0xba: {  	s3 =	sand.u32 $0x4000, s31;
	s1 =	sadd.s32 s1, s30  }
0xbb: {  	s0 =	sor.u32 s3, s0;
	s1 =	sshll.u32 s1, $0x11  }
0xbc: {  	s0 =	sor.u32 s1, s0  }
0xbd: {  	s0 =	sadd.s32 $0x8F2B, s0  }
0xbe: {  	[sflag:s0] =	ssyncadd.remote.s32 $0x1  }
0xbf: {  	_ =	sfence.sel $0xFFFF  }
0xc0: {  	[dreg:$0x0] =	wrdreg $0xFFFFFFFF;
	(pc) =	sbr.abs _section_cstart, $3  }
0xc1: {  	[dreg:$0x1] =	wrdreg $0xFFFFFFFF  }
0xc2: {  	_ =	task.clear_ibuf [dreg:s7], $0x2FFFF;
	_ =	strace $0x9FFFFFFF  }
0xc3: {  	(tm) =	ssettm $0x7FFFFFFF  }
tec
execute0_lowered:
.L_overlay_start_1:
0x0: {  	(tag) =	ssettag $0x1  }
0x1: {  	s0 =	rddreg [dreg:$0x0]  }
0x2: {  	s2 =	rddreg [dreg:$0x1]  }
0x3: {  	s3 =	rddreg [dreg:$0x2];
	s13 =	stileid.u32;
	s4 =	simm.s32 $0x0  }
0x4: {  	s5 =	srdreg.scid;
	s26 =	simm.s32 $0x40;
	s29 =	simm.s32 $0x1000  }
0x5: {  	s30 =	simm.s32 $0x3000;
	s31 =	simm.s32 $0x5000;
	s28 =	simm.s32 $0x4  }
0x6: {  	s1 =	smul.u32 $0x2700, s13;
	[smem:$0x7FF] =	sst s4;
	s6 =	sand.u32 $0x1, s5  }
0x7: {  	s7 =	smul.u32 $0x4E000, s13;
	s5 =	sadd.s32 $0x4FC00, s0;
	s14 =	sadd.s32 $0x4FA00, s0  }
0x8: {  	p1 =	seq.s32 s13, $0x0;
	_ =	strace $0x80000047;
	[dreg:$0xb] =	wrdreg s14  }
0x9: {  	s11 =	sadd.s32 $0x138000, s3;
	s24 =	smul.u32 $0x50000, s13;
	[dreg:$0x5] =	wrdreg s26  }
0xa: {  	s8 =	ssub.s32 $0x2, s6;
	s20 =	sshll.u32 s6, $0x4;
	[dreg:$0x6] =	wrdreg s29  }
0xb: {  	p0 =	seq.s32 s6, $0x1;
	s22 =	sor.u32 s6, s13;
	[dreg:$0x7] =	wrdreg s30  }
0xc: {  	s23 =	smul.u32 $0x500000, s6;
	p2 =	sne.s32 s6, $0x0;
	[dreg:$0x8] =	wrdreg s31  }
0xd: {  	s26 =	simm.s32 $0x3;
	s1 =	sadd.s32 s1, s0;
	s9 =	sshrl.u32 s8, $0x1  }
0xe: {  	s7 =	sshrl.u32 s7, $0x2;
	s21 =	sor.u32 s13, s20;
	p1 =	por !p1, !p0  }
0xf: {  	s0 =	sadd.s32 $0x28800, s0;
	s6 =	sshll.u32 @!p2 s13, $0x6;
	p3 =	sne.s32 s22, $0x0  }
0x10: {  	s22 =	simm.s32 $0x1;
	s10 =	sadd.s32 $0x28A00, s1;
	[dreg:$0xc] =	wrdreg s0  }
0x11: {  	s9 =	ssub.s32 s8, s9;
	s1 =	sadd.s32 $0x1800, s1;
	[dreg:$0x9] =	wrdreg s10  }
0x12: {  	s0 =	sadd.s32 s23, s5;
	[dreg:$0xa] =	wrdreg s1;
	s25 =	smax.u32 s9, $0x1  }
0x13: {  	s7 =	sadd.s32 s7, s3;
	s0 =	sadd.s32 s24, s0;
	[dreg:$0xe] =	wrdreg s25  }
0x14: {  	s12 =	smul.u32 $0x1400, s21;
	[dreg:$0xf] =	wrdreg s0;
	s0 =	sor.u32 @!p2 $0x1C0A, s6  }
0x15: {  	s8 =	smul.u32 $0x140, s21;
	[dreg:$0x10] =	wrdreg s0;
	s0 =	sshrl.u32 @!p2 s7, $0x3  }
0x16: {  	s12 =	sadd.s32 s2, s12;
	[dreg:$0x11] =	wrdreg s0;
	s0 =	sshll.u32 @p0 s13, $0x6  }
0x17: {  	p1 =	por !p1, !p1;
	[dreg:$0xd] =	wrdreg s12;
	s0 =	sor.u32 @p0 $0x1C0A, s0  }
0x18: {  	s1 =	sshll.u32 @!p3 s13, $0x6;
	[dreg:$0x12] =	wrdreg s0;
	s0 =	sshrl.u32 @p0 s7, $0x3  }
0x19: {  	s23 =	simm.s32 $0x9;
	[dreg:$0x13] =	wrdreg s0;
	s0 =	sor.u32 @!p3 $0x1C0A, s1  }
0x1a: {  	s10 =	smul.u32 $0xA000, s21;
	[dreg:$0x14] =	wrdreg s0;
	s0 =	sshrl.u32 @!p3 s11, $0x3  }
0x1b: {  	s24 =	simm.s32 $0x7000;
	[dreg:$0x15] =	wrdreg s0;
	s0 =	sshrl.u32 @p1 s11, $0x3  }
0x1c: {  	s25 =	simm.s32 $0x2;
	s1 =	simm.s32 $0x0;
	[dreg:$0x16] =	wrdreg s0  }
.LBB2_1:
0x1d: {  	s0 =	rddreg [dreg:$0x9]  }
0x1e: {  	s6 =	rddreg [dreg:$0x10]  }
0x1f: {  	s7 =	rddreg [dreg:$0x11]  }
0x20: {  	[spmem:s7], [sflag:s6] =	dma.local @!p2 [hbm:s0], $0x2700  }
0x21: {  	s6 =	simm.s32 @!p2 $0xA  }
0x22: {  	_ =	swait.ge @!p2 [sflag:s6], $0x2700  }
0x23: {  	s0 =	rddreg [dreg:$0xa]  }
0x24: {  	[sflag:s6] =	ssyncset.done @!p2 $0x0;
	s7 =	rddreg [dreg:$0x13]  }
0x25: {  	[sflag:s6] =	ssyncadd.s32 @!p2 $0xFFFFD900;
	s6 =	rddreg [dreg:$0x12]  }
0x26: {  	[spmem:s7], [sflag:s6] =	dma.local @p0 [hbm:s0], $0x2700  }
0x27: {  	s6 =	simm.s32 @p0 $0xA  }
0x28: {  	_ =	swait.ge @p0 [sflag:s6], $0x2700  }
0x29: {  	s0 =	rddreg [dreg:$0xb]  }
0x2a: {  	[sflag:s6] =	ssyncset.done @p0 $0x0;
	s7 =	rddreg [dreg:$0x15]  }
0x2b: {  	[sflag:s6] =	ssyncadd.s32 @p0 $0xFFFFD900;
	s6 =	rddreg [dreg:$0x14]  }
0x2c: {  	[spmem:s7], [sflag:s6] =	dma.local @!p3 [hbm:s0], $0x100  }
0x2d: {  	s6 =	simm.s32 @!p3 $0xA  }
0x2e: {  	_ =	swait.ge @!p3 [sflag:s6], $0x100  }
0x2f: {  	[sflag:s6] =	ssyncset.done @!p3 $0x0;
	s0 =	rddreg [dreg:$0xc]  }
0x30: {  	s7 =	rddreg [dreg:$0x16];
	[sflag:s6] =	ssyncadd.s32 @!p3 $0xFFFFFF00;
	s6 =	simm.s32 @p1 $0x1C0A  }
0x31: {  	[spmem:s7], [sflag:s6] =	dma.local @p1 [hbm:s0], $0x100  }
0x32: {  	s6 =	simm.s32 @p1 $0xA  }
0x33: {  	_ =	swait.ge @p1 [sflag:s6], $0x100  }
0x34: {  	[sflag:s6] =	ssyncset.done @p1 $0x0  }
0x35: {  	s31 =	rddreg [dreg:$0xd];
	[sflag:s6] =	ssyncadd.s32 @p1 $0xFFFFFF00  }
0x36: {  	[tilespmem:s4], [sflag:$0x9] =	stream.linear.gather [hbm4b:s31+s4], $0x800, $0x38;
	[tilespmem:$0x1C880] =	vst v63  }
0x37: {  	[bflag:$0x0] =	sbarrier.arrive $0xFFFF  }
0x38: {  	p4 =	por $0x0, $0x0;
	s11 =	simm.s32 $0x0;
	s14 =	rddreg [dreg:$0xf]  }
.LBB2_3:
0x39: {  	s7 =	smov.u32 s11;
	s6 =	sshll.u32 s11, $0x4  }
0x3a: {  	s11 =	sadd.s32 $0x1, s11;
	s9 =	sand.u32 $0x10, s6;
	p5 =	seq.s32 s7, $0x13  }
0x3b: {  	[dreg:$0x4] =	wrdreg s9;
	s9 =	sshll.u32 @!p5 s11, $0xB  }
0x3c: {  	s30 =	simm.s32 $0x0;
	_ =	swait.ge [sflag:s23], $0x800;
	s12 =	sadd.s32 @!p5 s10, s9  }
0x3d: {  	s13 =	simm.s32 @!p5 $0x0;
	[sflag:s23] =	ssyncset.done $0x0;
	s12 =	sshrl.u32 @!p5 s12, $0x3  }
0x3e: {  	s9 =	sand.u32 @!p5 $0x800, s9;
	[sflag:s23] =	ssyncadd.s32 $0xFFFFF800;
	s12 =	sadd.s32 @!p5 s2, s12  }
0x3f: {  	[tilespmem:s9], [sflag:$0x9] =	stream.linear.gather @!p5 [hbm4b:s12+s13], $0x800, $0x38;
	[tilespmem:$0x1C880] =	vst v63  }
0x40: {  	s9 =	sor.u32 s7, s30  }
0x41: {  	p5 =	sne.s32 s9, $0x0  }
0x42: {  	s9 =	simm.s32 $0x1;
	s12 =	simm.s32 @p5 $0x5  }
0x43: {  	s9 =	simm.s32 @!p4 $0x0;
	_ =	swait.ge @p5 [sflag:s12], $0x2000  }
0x44: {  	s13 =	simm.s32 @p5 $0x40;
	s16 =	simm.s32 @p5 $0x1000;
	[sflag:s12] =	ssyncset.done @p5 $0x0  }
0x45: {  	s15 =	sshll.u32 s9, $0xB;
	s9 =	simm.s32 @p5 $0x6;
	[sflag:s12] =	ssyncadd.s32 @p5 $0xFFFFE000  }
0x46: {  	[tilespmem:s16], [sflag:$0x1] =	stream.indirect.gather @p5 [spmem:s3], $0x80, s15, s13, $0xb8;
	[tilespmem:$0x1C880] =	vst v63  }
0x47: {  	s17 =	simm.s32 @p5 $0x2;
	s18 =	simm.s32 @p5 $0x5000;
	_ =	swait.ge @p5 [sflag:s9], $0x2000  }
0x48: {  	s19 =	simm.s32 @!p5 $0x0;
	s12 =	simm.s32 @p5 $0x7;
	[sflag:s9] =	ssyncset.done @p5 $0x0  }
0x49: {  	s16 =	simm.s32 @p5 $0x3000;
	[sflag:s9] =	ssyncadd.s32 @p5 $0xFFFFE000;
	s9 =	sadd.s32 @p5 $0x80, s15  }
0x4a: {  	[tilespmem:s16], [sflag:$0x2] =	stream.indirect.gather @p5 [spmem:s3], $0x80, s9, s13, $0xb8;
	[tilespmem:$0x1C880] =	vst v63  }
0x4b: {  	s17 =	simm.s32 @!p5 $0x2;
	s9 =	sadd.s32 s8, s6;
	_ =	swait.ge @p5 [sflag:s12], $0x2000  }
0x4c: {  	s6 =	simm.s32 $0x3;
	s16 =	simm.s32 @p5 $0x8;
	[sflag:s12] =	ssyncset.done @p5 $0x0  }
0x4d: {  	s6 =	simm.s32 @!p5 $0x3;
	[sflag:s12] =	ssyncadd.s32 @p5 $0xFFFFE000;
	s12 =	sadd.s32 @p5 $0x100, s15  }
0x4e: {  	[tilespmem:s18], [sflag:$0x3] =	stream.indirect.gather @p5 [spmem:s3], $0x80, s12, s13, $0xb8;
	[tilespmem:$0x1C880] =	vst v63  }
0x4f: {  	s15 =	sadd.s32 $0x200, s15;
	s12 =	simm.s32 @!p5 $0x5000;
	_ =	swait.ge @p5 [sflag:s16], $0x2000  }
0x50: {  	s13 =	simm.s32 @!p5 $0x1000;
	[sflag:s16] =	ssyncset.done @p5 $0x0;
	s31 =	rddreg [dreg:$0x4]  }
0x51: {  	s0 =	rddreg [dreg:$0x5];
	[sflag:s16] =	ssyncadd.s32 @p5 $0xFFFFE000;
	s16 =	simm.s32 @!p5 $0x40  }
0x52: {  	[tilespmem:s13], [sflag:$0x1] =	stream.indirect.gather @!p5 [spmem:s3], $0x80, s19, s16, $0xb8;
	[tilespmem:$0x1C880] =	vst v63  }
0x53: {  	s18 =	sadd.s32 s31, s6;
	s13 =	simm.s32 @!p5 $0x3000;
	s19 =	simm.s32 @!p5 $0x80  }
0x54: {  	[tilespmem:s13], [sflag:$0x2] =	stream.indirect.gather @!p5 [spmem:s3], $0x80, s19, s16, $0xb8;
	[tilespmem:$0x1C880] =	vst v63  }
0x55: {  	s6 =	sadd.s32 s9, s6;
	s18 =	sshll.u32 s18, $0x7;
	s13 =	simm.s32 @!p5 $0x100  }
0x56: {  	[tilespmem:s12], [sflag:$0x3] =	stream.indirect.gather @!p5 [spmem:s3], $0x80, s13, s16, $0xb8;
	[tilespmem:$0x1C880] =	vst v63  }
0x57: {  	s6 =	sshll.u32 s6, $0xA;
	s16 =	sand.u32 $0x3FFFFF80, s18;
	s18 =	sadd.s32 s9, s17  }
0x58: {  	s12 =	simm.s32 $0x7;
	s17 =	simm.s32 @p5 $0x1;
	s13 =	sshll.u32 s18, $0xA  }
0x59: {  	[tilespmem:s24], [sflag:$0x4] =	stream.indirect.gather [spmem:s3], $0x80, s16, s0, $0xb8;
	[tilespmem:$0x1C880] =	vst v63  }
0x5a: {  	s17 =	simm.s32 @!p5 $0x1;
	s16 =	simm.s32 $0xB;
	_ =	swait.ge [sflag:s22], $0x2000  }
0x5b: {  	s20 =	sand.u32 $0x1FFFF800, s13;
	s21 =	sadd.s32 s9, s17;
	[sflag:s22] =	ssyncset.done $0x0  }
0x5c: {  	s13 =	sshll.u32 s21, $0xA;
	s19 =	rddreg [dreg:$0x6];
	[sflag:s22] =	ssyncadd.s32 $0xFFFFE000  }
0x5d: {  	[hbm4b:s14+s4] =	stream.linear.scatter [tilespmem:s19], [sflag:$0x5], $0x2000, $0x38;
	[tilespmem:$0x1C880] =	vst v63  }
0x5e: {  	s17 =	sadd.s32 s5, s20;
	s13 =	sand.u32 $0x1FFFF400, s13;
	_ =	swait.ge [sflag:s25], $0x2000  }
0x5f: {  	s30 =	sadd.s32 s5, s13;
	s19 =	sand.u32 $0x1FFFFC00, s6;
	[sflag:s25] =	ssyncset.done $0x0  }
0x60: {  	s6 =	simm.s32 $0x1;
	s29 =	rddreg [dreg:$0x7];
	[sflag:s25] =	ssyncadd.s32 $0xFFFFE000  }
0x61: {  	[hbm4b:s30+s4] =	stream.linear.scatter [tilespmem:s29], [sflag:$0x6], $0x2000, $0x38;
	[tilespmem:$0x1C880] =	vst v63  }
0x62: {  	s13 =	sadd.s32 $0x1000, s14;
	s31 =	sor.u32 s7, s6;
	_ =	swait.ge [sflag:s26], $0x2000  }
0x63: {  	p5 =	sne.s32 s31, $0x0;
	[sflag:s26] =	ssyncset.done $0x0;
	s20 =	rddreg [dreg:$0x8]  }
.LBB2_4:
0x64: {  	[sflag:s26] =	ssyncadd.s32 $0xFFFFE000  }
0x65: {  	[hbm4b:s17+s4] =	stream.linear.scatter [tilespmem:s20], [sflag:$0x7], $0x2000, $0x38;
	[tilespmem:$0x1C880] =	vst v63  }
0x66: {  	_ =	swait.ge [sflag:s28], $0x2000  }
0x67: {  	s21 =	simm.s32 @p5 $0x5;
	s29 =	sadd.s32 @p5 $0xFFFFFFFF, s12;
	[sflag:s28] =	ssyncset.done $0x0  }
0x68: {  	s18 =	smov.u32 s16;
	s19 =	sadd.s32 s5, s19;
	[sflag:s28] =	ssyncadd.s32 $0xFFFFE000  }
0x69: {  	[hbm4b:s19+s4] =	stream.linear.scatter [tilespmem:s24], [sflag:$0x8], $0x2000, $0x38;
	[tilespmem:$0x1C880] =	vst v63  }
0x6a: {  	s29 =	simm.s32 @!p5 $0x2;
	s20 =	simm.s32 @p5 $0x6;
	_ =	swait.ge @p5 [sflag:s21], $0x2000  }
0x6b: {  	s30 =	sadd.s32 s9, s29;
	s29 =	simm.s32 @p5 $0x40;
	[sflag:s21] =	ssyncset.done @p5 $0x0  }
0x6c: {  	s17 =	sshll.u32 s30, $0xA;
	s30 =	simm.s32 @p5 $0x1000;
	[sflag:s21] =	ssyncadd.s32 @p5 $0xFFFFE000  }
0x6d: {  	[tilespmem:s30], [sflag:$0x1] =	stream.indirect.gather @p5 [spmem:s3], $0x80, s15, s29, $0xb8;
	[tilespmem:$0x1C880] =	vst v63  }
0x6e: {  	s16 =	sadd.s32 $0x4, s16;
	s0 =	simm.s32 @!p5 $0x0;
	_ =	swait.ge @p5 [sflag:s20], $0x2000  }
0x6f: {  	s6 =	sadd.s32 $0x1, s6;
	s19 =	simm.s32 @p5 $0x7;
	[sflag:s20] =	ssyncset.done @p5 $0x0  }
0x70: {  	s21 =	simm.s32 @p5 $0x3000;
	[sflag:s20] =	ssyncadd.s32 @p5 $0xFFFFE000;
	s20 =	sadd.s32 @p5 $0x80, s15  }
0x71: {  	[tilespmem:s21], [sflag:$0x2] =	stream.indirect.gather @p5 [spmem:s3], $0x80, s20, s29, $0xb8;
	[tilespmem:$0x1C880] =	vst v63  }
0x72: {  	p6 =	seq.s32 s16, $0x13;
	s17 =	sand.u32 $0x1FFFF800, s17;
	_ =	swait.ge @p5 [sflag:s19], $0x2000  }
0x73: {  	s17 =	sadd.s32 s5, s17;
	s30 =	simm.s32 @p5 $0x5000;
	[sflag:s19] =	ssyncset.done @p5 $0x0  }
0x74: {  	s20 =	simm.s32 @p5 $0x8;
	[sflag:s19] =	ssyncadd.s32 @p5 $0xFFFFE000;
	s19 =	sadd.s32 @p5 $0x100, s15  }
0x75: {  	[tilespmem:s30], [sflag:$0x3] =	stream.indirect.gather @p5 [spmem:s3], $0x80, s19, s29, $0xb8;
	[tilespmem:$0x1C880] =	vst v63  }
0x76: {  	s21 =	simm.s32 @!p5 $0x5000;
	s29 =	smov.u32 s12;
	_ =	swait.ge @p5 [sflag:s20], $0x2000  }
0x77: {  	s30 =	simm.s32 @!p5 $0x1000;
	s29 =	simm.s32 @!p5 $0x3;
	[sflag:s20] =	ssyncset.done @p5 $0x0  }
0x78: {  	s31 =	rddreg [dreg:$0x4];
	[sflag:s20] =	ssyncadd.s32 @p5 $0xFFFFE000;
	s20 =	simm.s32 @!p5 $0x40  }
0x79: {  	[tilespmem:s30], [sflag:$0x1] =	stream.indirect.gather @!p5 [spmem:s3], $0x80, s0, s20, $0xb8;
	[tilespmem:$0x1C880] =	vst v63  }
0x7a: {  	s19 =	simm.s32 @!p5 $0x3000;
	s31 =	sadd.s32 s31, s29;
	s0 =	simm.s32 @!p5 $0x80  }
0x7b: {  	[tilespmem:s19], [sflag:$0x2] =	stream.indirect.gather @!p5 [spmem:s3], $0x80, s0, s20, $0xb8;
	[tilespmem:$0x1C880] =	vst v63  }
0x7c: {  	s15 =	sadd.s32 $0x200, s15;
	s0 =	simm.s32 @!p5 $0x100;
	s19 =	sshll.u32 s31, $0x7  }
0x7d: {  	[tilespmem:s21], [sflag:$0x3] =	stream.indirect.gather @!p5 [spmem:s3], $0x80, s0, s20, $0xb8;
	[tilespmem:$0x1C880] =	vst v63  }
0x7e: {  	s29 =	sadd.s32 s9, s29;
	s31 =	rddreg [dreg:$0x5];
	s20 =	sand.u32 $0x3FFFFF80, s19  }
0x7f: {  	[tilespmem:s24], [sflag:$0x4] =	stream.indirect.gather [spmem:s3], $0x80, s20, s31, $0xb8;
	[tilespmem:$0x1C880] =	vst v63  }
0x80: {  	s0 =	sadd.s32 @p5 $0xFFFFFFFE, s12;
	s21 =	sshll.u32 s29, $0xA;
	_ =	swait.ge [sflag:s22], $0x2000  }
0x81: {  	s12 =	smov.u32 s18;
	s0 =	simm.s32 @!p5 $0x1;
	[sflag:s22] =	ssyncset.done $0x0  }
0x82: {  	s0 =	sadd.s32 s9, s0;
	s29 =	rddreg [dreg:$0x6];
	[sflag:s22] =	ssyncadd.s32 $0xFFFFE000  }
0x83: {  	[hbm4b:s13+s4] =	stream.linear.scatter [tilespmem:s29], [sflag:$0x5], $0x2000, $0x38;
	[tilespmem:$0x1C880] =	vst v63  }
0x84: {  	s31 =	sor.u32 s7, s6;
	s0 =	sshll.u32 s0, $0xA;
	_ =	swait.ge [sflag:s25], $0x2000  }
.Ltmp0:
0x85: {  	s0 =	sand.u32 $0x1FFFF400, s0;
	[sflag:s25] =	ssyncset.done $0x0;
	(pc) =	sbr.rel @!p6 .LBB2_4-.Ltmp0, $4  }
0x86: {  	s0 =	sadd.s32 s5, s0;
	s30 =	rddreg [dreg:$0x7];
	[sflag:s25] =	ssyncadd.s32 $0xFFFFE000  }
0x87: {  	[hbm4b:s0+s4] =	stream.linear.scatter [tilespmem:s30], [sflag:$0x6], $0x2000, $0x38;
	[tilespmem:$0x1C880] =	vst v63  }
0x88: {  	s19 =	sand.u32 $0x1FFFFC00, s21;
	p5 =	sne.s32 s31, $0x0;
	_ =	swait.ge [sflag:s26], $0x2000  }
0x89: {  	s13 =	sadd.s32 $0x1000, s13;
	[sflag:s26] =	ssyncset.done $0x0;
	s20 =	rddreg [dreg:$0x8]  }
0x8a: {  	[sflag:s26] =	ssyncadd.s32 $0xFFFFE000  }
0x8b: {  	[hbm4b:s17+s4] =	stream.linear.scatter [tilespmem:s20], [sflag:$0x7], $0x2000, $0x38;
	[tilespmem:$0x1C880] =	vst v63  }
0x8c: {  	_ =	swait.ge [sflag:s28], $0x2000  }
0x8d: {  	[sflag:s28] =	ssyncset.done $0x0  }
0x8e: {  	s0 =	simm.s32 @p5 $0x5;
	s6 =	sadd.s32 s5, s19;
	[sflag:s28] =	ssyncadd.s32 $0xFFFFE000  }
0x8f: {  	[hbm4b:s6+s4] =	stream.linear.scatter [tilespmem:s24], [sflag:$0x8], $0x2000, $0x38;
	[tilespmem:$0x1C880] =	vst v63  }
0x90: {  	_ =	swait.ge @p5 [sflag:s0], $0x2000  }
0x91: {  	s7 =	simm.s32 @p5 $0x40;
	[sflag:s0] =	ssyncset.done @p5 $0x0  }
0x92: {  	s16 =	simm.s32 @p5 $0x1000;
	s6 =	simm.s32 @p5 $0x6;
	[sflag:s0] =	ssyncadd.s32 @p5 $0xFFFFE000  }
0x93: {  	[tilespmem:s16], [sflag:$0x1] =	stream.indirect.gather @p5 [spmem:s3], $0x80, s15, s7, $0xb8;
	[tilespmem:$0x1C880] =	vst v63  }
0x94: {  	_ =	swait.ge @p5 [sflag:s6], $0x2000  }
0x95: {  	s0 =	simm.s32 @p5 $0x7;
	[sflag:s6] =	ssyncset.done @p5 $0x0  }
0x96: {  	s16 =	simm.s32 @p5 $0x3000;
	[sflag:s6] =	ssyncadd.s32 @p5 $0xFFFFE000;
	s6 =	sadd.s32 @p5 $0x80, s15  }
0x97: {  	[tilespmem:s16], [sflag:$0x2] =	stream.indirect.gather @p5 [spmem:s3], $0x80, s6, s7, $0xb8;
	[tilespmem:$0x1C880] =	vst v63  }
0x98: {  	_ =	swait.ge @p5 [sflag:s0], $0x2000  }
0x99: {  	s6 =	simm.s32 @p5 $0x8;
	[sflag:s0] =	ssyncset.done @p5 $0x0  }
0x9a: {  	[sflag:s0] =	ssyncadd.s32 @p5 $0xFFFFE000;
	s0 =	sadd.s32 @p5 $0x100, s15;
	s15 =	simm.s32 @p5 $0x5000  }
0x9b: {  	[tilespmem:s15], [sflag:$0x3] =	stream.indirect.gather @p5 [spmem:s3], $0x80, s0, s7, $0xb8;
	[tilespmem:$0x1C880] =	vst v63  }
0x9c: {  	s17 =	simm.s32 @!p5 $0x0;
	s0 =	smov.u32 s12;
	_ =	swait.ge @p5 [sflag:s6], $0x2000  }
0x9d: {  	s15 =	simm.s32 @!p5 $0x1000;
	s0 =	simm.s32 @!p5 $0x3;
	[sflag:s6] =	ssyncset.done @p5 $0x0  }
0x9e: {  	s31 =	rddreg [dreg:$0x4];
	[sflag:s6] =	ssyncadd.s32 @p5 $0xFFFFE000;
	s6 =	simm.s32 @!p5 $0x40  }
0x9f: {  	[tilespmem:s15], [sflag:$0x1] =	stream.indirect.gather @!p5 [spmem:s3], $0x80, s17, s6, $0xb8;
	[tilespmem:$0x1C880] =	vst v63  }
0xa0: {  	s16 =	sadd.s32 s31, s0;
	s15 =	simm.s32 @!p5 $0x3000;
	s17 =	simm.s32 @!p5 $0x80  }
0xa1: {  	[tilespmem:s15], [sflag:$0x2] =	stream.indirect.gather @!p5 [spmem:s3], $0x80, s17, s6, $0xb8;
	[tilespmem:$0x1C880] =	vst v63  }
0xa2: {  	s7 =	simm.s32 @!p5 $0x5000;
	s16 =	sshll.u32 s16, $0x7;
	s15 =	simm.s32 @!p5 $0x100  }
0xa3: {  	[tilespmem:s7], [sflag:$0x3] =	stream.indirect.gather @!p5 [spmem:s3], $0x80, s15, s6, $0xb8;
	[tilespmem:$0x1C880] =	vst v63  }
0xa4: {  	s18 =	rddreg [dreg:$0x5];
	s19 =	sand.u32 $0x3FFFFF80, s16  }
0xa5: {  	[tilespmem:s24], [sflag:$0x4] =	stream.indirect.gather [spmem:s3], $0x80, s19, s18, $0xb8;
	[tilespmem:$0x1C880] =	vst v63  }
0xa6: {  	s7 =	sadd.s32 @p5 $0xFFFFFFFE, s12;
	_ =	swait.ge [sflag:s22], $0x2000  }
0xa7: {  	s12 =	sadd.s32 @p5 $0xFFFFFFFF, s12;
	s7 =	simm.s32 @!p5 $0x1;
	[sflag:s22] =	ssyncset.done $0x0  }
0xa8: {  	s21 =	sadd.s32 s9, s7;
	s20 =	rddreg [dreg:$0x6];
	[sflag:s22] =	ssyncadd.s32 $0xFFFFE000  }
0xa9: {  	[hbm4b:s13+s4] =	stream.linear.scatter [tilespmem:s20], [sflag:$0x5], $0x2000, $0x38;
	[tilespmem:$0x1C880] =	vst v63  }
0xaa: {  	s12 =	simm.s32 @!p5 $0x2;
	s6 =	sshll.u32 s21, $0xA;
	_ =	swait.ge [sflag:s25], $0x2000  }
0xab: {  	s30 =	sadd.s32 s9, s12;
	s6 =	sand.u32 $0x1FFFF400, s6;
	[sflag:s25] =	ssyncset.done $0x0  }
0xac: {  	s6 =	sadd.s32 s5, s6;
	s29 =	rddreg [dreg:$0x7];
	[sflag:s25] =	ssyncadd.s32 $0xFFFFE000  }
0xad: {  	[hbm4b:s6+s4] =	stream.linear.scatter [tilespmem:s29], [sflag:$0x6], $0x2000, $0x38;
	[tilespmem:$0x1C880] =	vst v63  }
0xae: {  	s6 =	sshll.u32 s30, $0xA;
	_ =	swait.ge [sflag:s26], $0x2000  }
0xaf: {  	s0 =	sadd.s32 s9, s0;
	s6 =	sand.u32 $0x1FFFF800, s6;
	[sflag:s26] =	ssyncset.done $0x0  }
0xb0: {  	s31 =	rddreg [dreg:$0x8];
	s6 =	sadd.s32 s5, s6;
	[sflag:s26] =	ssyncadd.s32 $0xFFFFE000  }
0xb1: {  	[hbm4b:s6+s4] =	stream.linear.scatter [tilespmem:s31], [sflag:$0x7], $0x2000, $0x38;
	[tilespmem:$0x1C880] =	vst v63  }
0xb2: {  	s0 =	sshll.u32 s0, $0xA;
	_ =	swait.ge [sflag:s28], $0x2000  }
0xb3: {  	s0 =	sand.u32 $0x1FFFFC00, s0;
	[sflag:s28] =	ssyncset.done $0x0  }
0xb4: {  	s0 =	sadd.s32 s5, s0;
	[sflag:s28] =	ssyncadd.s32 $0xFFFFE000  }
0xb5: {  	[hbm4b:s0+s4] =	stream.linear.scatter [tilespmem:s24], [sflag:$0x8], $0x2000, $0x38;
	[tilespmem:$0x1C880] =	vst v63  }
0xb6: {  	p5 =	seq.s32 s11, $0x14  }
.Ltmp1:
0xb7: {  	_ = 	snop;
	(pc) =	sbr.rel @!p5 .LBB2_3-.Ltmp1, $2  }
0xb8: {  	_ =	sdelay $0x2  }
0xb9: {  	s14 =	sadd.s32 $0x4000, s14;
	p4 =	por !p4, !p4  }
0xba: {  	s0 =	simm.s32 $0x5  }
0xbb: {  	_ =	swait.ge [sflag:s0], $0x2000  }
0xbc: {  	[sflag:s0] =	ssyncset.done $0x0  }
0xbd: {  	s29 =	simm.s32 $0x6;
	[sflag:s0] =	ssyncadd.s32 $0xFFFFE000  }
0xbe: {  	_ =	swait.ge [sflag:s29], $0x2000  }
0xbf: {  	[sflag:s29] =	ssyncset.done $0x0  }
0xc0: {  	s30 =	simm.s32 $0x7;
	[sflag:s29] =	ssyncadd.s32 $0xFFFFE000  }
0xc1: {  	_ =	swait.ge [sflag:s30], $0x2000  }
0xc2: {  	[sflag:s30] =	ssyncset.done $0x0  }
0xc3: {  	s6 =	simm.s32 $0x8;
	[sflag:s30] =	ssyncadd.s32 $0xFFFFE000  }
0xc4: {  	_ =	swait.ge [sflag:s6], $0x2000  }
0xc5: {  	s1 =	sadd.s32 $0x1, s1;
	s31 =	rddreg [dreg:$0xe]  }
0xc6: {  	p4 =	sne.s32 s1, s31  }
.Ltmp2:
0xc7: {  	_ = 	snop;
	(pc) =	sbr.rel @p4 .LBB2_1-.Ltmp2, $3  }
0xc8: {  	_ =	sdelay $0x1  }
0xc9: {  	[sflag:s6] =	ssyncset.done $0x0  }
0xca: {  	[sflag:s6] =	ssyncadd.s32 $0xFFFFE000  }
0xcb: {  	_ =	sfence.sel $0x180000  }
0xcc: {  	[bflag:$0x0] =	sbarrier.arrive $0xFFFF  }
0xcd: {  	_ =	strace $0x90000047  }
0xce: {  	s0 =	stileid.u32;
	[bflag:$0x2] =	sbarrier.arrive $0xFFFF  }
0xcf: {  	p0 =	sne.s32 s0, $0x0;
	s0 =	rddreg [dreg:$0x3]  }
0xd0: {  	s0 =	sadd.s32 @!p0 $0x100000, s0  }
0xd1: {  	[sflag:s0] =	ssyncadd.tile.s32 @!p0 $0x1;
	_ =	shalt  }
.Lfunc_end2:
_tile_overlayer_lowered:
.L_overlay_start_2:
0xd2: {  	(tag) =	ssettag $0x2  }
0xd3: {  	s0 =	rddreg [dreg:$0x0];
	s2 =	stileid.u32  }
0xd4: {  	s1 =	rddreg [dreg:$0x1];
	p0 =	sne.s32 s2, $0x0  }
0xd5: {  	s3 =	rddreg [dreg:$0x2];
	[bflag:$0x3] =	sbarrier.arrive $0xFFFF;
	s2 =	simm.s32 @!p0 $0x1C0A  }
0xd6: {  	[timem:s3], [sflag:s2] =	dma.local @!p0 [hbm:s0], s1  }
0xd7: {  	s0 =	simm.s32 @!p0 $0xA  }
0xd8: {  	_ =	swait.ge @!p0 [sflag:s0], s1  }
0xd9: {  	s1 =	ssub.s32 @!p0 $0x0, s1;
	[sflag:s0] =	ssyncset.done @!p0 $0x0  }
0xda: {  	[sflag:s0] =	ssyncadd.s32 @!p0 s1  }
0xdb: {  	[bflag:$0x3] =	sbarrier.arrive $0xFFFF  }
0xdc: {  	_ =	shalt  }

</sc_bundles>
